<compile_context>
chip_gen: v7x
topology: tpu7x:2x2x1
jax: 0.10.2.dev20260603
libtpu: 0.0.44.dev20260713+nightly
codegen_flags: <defaults>
</compile_context>

<pallas_src>
import functools

import jax
import jax.numpy as jnp
from jax import lax
from jax.experimental import pallas as pl
from jax.experimental.pallas import tpu as pltpu
from jax.experimental.pallas import tpu_sc as plsc

NC, NS = 2, 16
NW = NC * NS
BATCH, SEQ, D = 4, 2048, 512
WPB = NW // BATCH
BPW = SEQ // WPB
CHUNK = 16
NCHUNK = BPW // CHUNK
NBUF = 14

_mesh = plsc.VectorSubcoreMesh(core_axis_name="c", subcore_axis_name="s")


@functools.partial(
    pl.kernel,
    mesh=_mesh,
    out_type=jax.ShapeDtypeStruct((BATCH, SEQ, D), jnp.float32),
    scratch_types=[
        pltpu.VMEM((BPW,), jnp.int32),
        *[pltpu.VMEM((CHUNK, D), jnp.float32) for _ in range(NBUF)],
        *[pltpu.SemaphoreType.DMA for _ in range(2 * NBUF + 1)],
    ],
)
def _embed_gather(idx_hbm, table_hbm, out_hbm, idx_v, *scratch):
    bufs = scratch[:NBUF]
    gsems = scratch[NBUF:2 * NBUF]
    osems = scratch[2 * NBUF:3 * NBUF]
    isem = scratch[3 * NBUF]

    wid = lax.axis_index("s") * NC + lax.axis_index("c")
    row = wid // WPB
    seq0 = (wid % WPB) * BPW

    HALF = BPW // 2
    ih0 = pltpu.async_copy(
        idx_hbm.at[row, pl.ds(seq0, HALF)], idx_v.at[pl.ds(0, HALF)], isem)
    ih1 = pltpu.async_copy(
        idx_hbm.at[row, pl.ds(seq0 + HALF, HALF)],
        idx_v.at[pl.ds(HALF, HALF)], isem)

    def start_gather(c):
        b = c % NBUF
        return pltpu.async_copy(
            table_hbm.at[idx_v.at[pl.ds(c * CHUNK, CHUNK)]], bufs[b], gsems[b])

    gh = [None] * NCHUNK
    oh = [None] * NCHUNK
    ih0.wait()
    for c in range(min(NBUF, NCHUNK)):
        if c * CHUNK == HALF:
            ih1.wait()
            ih1 = None
        gh[c] = start_gather(c)
    if ih1 is not None:
        ih1.wait()
    for c in range(NCHUNK):
        b = c % NBUF
        gh[c].wait()
        oh[c] = pltpu.async_copy(
            bufs[b], out_hbm.at[row, pl.ds(seq0 + c * CHUNK, CHUNK)], osems[b])
        d = c - 2
        if d >= 0 and d + NBUF < NCHUNK:
            oh[d].wait()
            oh[d] = None
            gh[d + NBUF] = start_gather(d + NBUF)
    for c in range(NCHUNK):
        if oh[c] is not None:
            oh[c].wait()


def kernel(x, table):
    return _embed_gather(x.astype(jnp.int32), table)

# --- scband reference (transcript-rebuilt; emitter-appended) ---
"""Pipeline reference for scband-token-embedding-39015482917265 (READ-ONLY COPY).

The authoritative reference and input builder live on the scoring server;
editing this copy changes nothing except your own understanding.
"""

import jax, jax.numpy as jnp
import numpy as np

VOCAB = 50257
D_MODEL = 512
BATCH = 4
SEQ = 2048

def setup_inputs(seed: int = 0) -> dict:
    key = jax.random.key(seed)
    k1, k2 = jax.random.split(key)
    x = jax.random.randint(k1, (BATCH, SEQ), 0, VOCAB, dtype=jnp.int64 if jax.config.jax_enable_x64 else jnp.int32)
    table = jax.random.normal(k2, (VOCAB, D_MODEL), dtype=jnp.float32)
    return {"x": x, "table": table}

def reference(x, table):
    # nn.Embedding forward: gather rows of the embedding table
    return jnp.take(table, x, axis=0)

if __name__ == "__main__":
    import jax
    _d = setup_inputs()
    print(jax.jit(kernel)(*tuple(_d.values())))

</pallas_src>

<mosaic_0001>
#map = affine_map<(d0, d1) -> (0, 0)>
#map1 = affine_map<(d0, d1) -> (0, 0, 0)>
module attributes {stable_mosaic.version = 14 : i64} {
  func.func @_embed_gather(%arg0: i32, %arg1: i32, %arg2: memref<4x2048xi32, #tpu.memory_space<hbm>>, %arg3: memref<50257x512xf32, #tpu.memory_space<hbm>>, %arg4: memref<4x2048x512xf32, #tpu.memory_space<hbm>>, %arg5: memref<256xi32, #tpu.memory_space<vmem>>, %arg6: memref<16x512xf32, #tpu.memory_space<vmem>>, %arg7: memref<16x512xf32, #tpu.memory_space<vmem>>, %arg8: memref<16x512xf32, #tpu.memory_space<vmem>>, %arg9: memref<16x512xf32, #tpu.memory_space<vmem>>, %arg10: memref<16x512xf32, #tpu.memory_space<vmem>>, %arg11: memref<16x512xf32, #tpu.memory_space<vmem>>, %arg12: memref<16x512xf32, #tpu.memory_space<vmem>>, %arg13: memref<16x512xf32, #tpu.memory_space<vmem>>, %arg14: memref<16x512xf32, #tpu.memory_space<vmem>>, %arg15: memref<16x512xf32, #tpu.memory_space<vmem>>, %arg16: memref<16x512xf32, #tpu.memory_space<vmem>>, %arg17: memref<16x512xf32, #tpu.memory_space<vmem>>, %arg18: memref<16x512xf32, #tpu.memory_space<vmem>>, %arg19: memref<16x512xf32, #tpu.memory_space<vmem>>, %arg20: memref<!tpu.dma_semaphore, #tpu.memory_space<semaphore_mem>>, %arg21: memref<!tpu.dma_semaphore, #tpu.memory_space<semaphore_mem>>, %arg22: memref<!tpu.dma_semaphore, #tpu.memory_space<semaphore_mem>>, %arg23: memref<!tpu.dma_semaphore, #tpu.memory_space<semaphore_mem>>, %arg24: memref<!tpu.dma_semaphore, #tpu.memory_space<semaphore_mem>>, %arg25: memref<!tpu.dma_semaphore, #tpu.memory_space<semaphore_mem>>, %arg26: memref<!tpu.dma_semaphore, #tpu.memory_space<semaphore_mem>>, %arg27: memref<!tpu.dma_semaphore, #tpu.memory_space<semaphore_mem>>, %arg28: memref<!tpu.dma_semaphore, #tpu.memory_space<semaphore_mem>>, %arg29: memref<!tpu.dma_semaphore, #tpu.memory_space<semaphore_mem>>, %arg30: memref<!tpu.dma_semaphore, #tpu.memory_space<semaphore_mem>>, %arg31: memref<!tpu.dma_semaphore, #tpu.memory_space<semaphore_mem>>, %arg32: memref<!tpu.dma_semaphore, #tpu.memory_space<semaphore_mem>>, %arg33: memref<!tpu.dma_semaphore, #tpu.memory_space<semaphore_mem>>, %arg34: memref<!tpu.dma_semaphore, #tpu.memory_space<semaphore_mem>>, %arg35: memref<!tpu.dma_semaphore, #tpu.memory_space<semaphore_mem>>, %arg36: memref<!tpu.dma_semaphore, #tpu.memory_space<semaphore_mem>>, %arg37: memref<!tpu.dma_semaphore, #tpu.memory_space<semaphore_mem>>, %arg38: memref<!tpu.dma_semaphore, #tpu.memory_space<semaphore_mem>>, %arg39: memref<!tpu.dma_semaphore, #tpu.memory_space<semaphore_mem>>, %arg40: memref<!tpu.dma_semaphore, #tpu.memory_space<semaphore_mem>>, %arg41: memref<!tpu.dma_semaphore, #tpu.memory_space<semaphore_mem>>, %arg42: memref<!tpu.dma_semaphore, #tpu.memory_space<semaphore_mem>>, %arg43: memref<!tpu.dma_semaphore, #tpu.memory_space<semaphore_mem>>, %arg44: memref<!tpu.dma_semaphore, #tpu.memory_space<semaphore_mem>>, %arg45: memref<!tpu.dma_semaphore, #tpu.memory_space<semaphore_mem>>, %arg46: memref<!tpu.dma_semaphore, #tpu.memory_space<semaphore_mem>>, %arg47: memref<!tpu.dma_semaphore, #tpu.memory_space<semaphore_mem>>, %arg48: memref<!tpu.dma_semaphore, #tpu.memory_space<semaphore_mem>>) attributes {dimension_semantics = [#tpu.dimension_semantics<core_parallel>, #tpu.dimension_semantics<subcore_parallel>], iteration_bounds = array<i64: 2, 16>, scalar_prefetch = 0 : i64, scratch_operands = 44 : i64, tpu.core_type = #tpu.core_type<sc_vector_subcore>, window_params = [{transform_indices = #map}, {transform_indices = #map}, {transform_indices = #map1}]} {
    %mul3A = arith.constant 2 : i32
    %mul3A_0 = arith.muli %arg1, %mul3A : i32
    %add3A = arith.addi %mul3A_0, %arg0 : i32
    %jit3A = arith.constant 8 : i32
    %div3A = arith.divsi %add3A, %jit3A : i32
    %sign3A = arith.constant 0 : i32
    %sign3A_1 = arith.cmpi sgt, %add3A, %sign3A : i32
    %sign3A_2 = arith.extui %sign3A_1 : i1 to i32
    %sign3A_3 = arith.constant 0 : i32
    %sign3A_4 = arith.cmpi slt, %add3A, %sign3A_3 : i32
    %sign3A_5 = arith.extui %sign3A_4 : i1 to i32
    %sign3A_6 = arith.subi %sign3A_2, %sign3A_5 : i32
    %sign3A_7 = arith.constant 0 : i32
    %sign3A_8 = arith.cmpi sgt, %jit3A, %sign3A_7 : i32
    %sign3A_9 = arith.extui %sign3A_8 : i1 to i32
    %sign3A_10 = arith.constant 0 : i32
    %sign3A_11 = arith.cmpi slt, %jit3A, %sign3A_10 : i32
    %sign3A_12 = arith.extui %sign3A_11 : i1 to i32
    %sign3A_13 = arith.subi %sign3A_9, %sign3A_12 : i32
    %ne3A = arith.cmpi ne, %sign3A_6, %sign3A_13 : i32
    %rem3A = arith.remsi %add3A, %jit3A : i32
    %ne3A_14 = arith.constant 0 : i32
    %ne3A_15 = arith.cmpi ne, %rem3A, %ne3A_14 : i32
    %and3A = arith.andi %ne3A, %ne3A_15 : i1
    %sub3A = arith.constant 1 : i32
    %sub3A_16 = arith.subi %div3A, %sub3A : i32
    %select_n3A = arith.select %and3A, %sub3A_16, %div3A : i32
    %jit3A_17 = arith.constant 8 : i32
    %eq3A = arith.constant 0 : i32
    %eq3A_18 = arith.cmpi eq, %jit3A_17, %eq3A : i32
    %jit3A_19 = arith.constant 1 : i32
    %select_n3A_20 = arith.select %eq3A_18, %jit3A_19, %jit3A_17 : i32
    %rem3A_21 = arith.remsi %add3A, %select_n3A_20 : i32
    %ne3A_22 = arith.constant 0 : i32
    %ne3A_23 = arith.cmpi ne, %rem3A_21, %ne3A_22 : i32
    %lt3A = arith.constant 0 : i32
    %lt3A_24 = arith.cmpi slt, %rem3A_21, %lt3A : i32
    %lt3A_25 = arith.constant 0 : i32
    %lt3A_26 = arith.cmpi slt, %select_n3A_20, %lt3A_25 : i32
    %ne3A_27 = arith.xori %lt3A_24, %lt3A_26 : i1
    %and3A_28 = arith.andi %ne3A_27, %ne3A_23 : i1
    %add3A_29 = arith.addi %rem3A_21, %select_n3A_20 : i32
    %select_n3A_30 = arith.select %and3A_28, %add3A_29, %rem3A_21 : i32
    %mul3A_31 = arith.constant 256 : i32
    %mul3A_32 = arith.muli %select_n3A_30, %mul3A_31 : i32
    %dma_start3A = arith.constant 0 : i32
    %dma_start3A_33 = tpu.memref_slice %arg5[%dma_start3A] : memref<256xi32, #tpu.memory_space<vmem>> -> memref<128xi32, #tpu.memory_space<vmem>>
    %dma_start3A_34 = tpu.memref_slice %arg2[%select_n3A, %mul3A_32] : memref<4x2048xi32, #tpu.memory_space<hbm>> -> memref<1x128xi32, #tpu.memory_space<hbm>>
    %dma_start3A_35 = tpu.memref_squeeze %dma_start3A_34 : memref<1x128xi32, #tpu.memory_space<hbm>> -> memref<128xi32, #tpu.memory_space<hbm>>
    %dma_start3A_36 = arith.constant 0 : i32
    %dma_start3A_37 = tpu.memref_slice %arg5[%dma_start3A_36] : memref<256xi32, #tpu.memory_space<vmem>> -> memref<128xi32, #tpu.memory_space<vmem>>
    %dma_start3A_38 = tpu.memref_slice %arg2[%select_n3A, %mul3A_32] : memref<4x2048xi32, #tpu.memory_space<hbm>> -> memref<1x128xi32, #tpu.memory_space<hbm>>
    %dma_start3A_39 = tpu.memref_squeeze %dma_start3A_38 : memref<1x128xi32, #tpu.memory_space<hbm>> -> memref<128xi32, #tpu.memory_space<hbm>>
    tpu.enqueue_dma source(%dma_start3A_39 : memref<128xi32, #tpu.memory_space<hbm>>) target(%dma_start3A_37 : memref<128xi32, #tpu.memory_space<vmem>>) target_semaphore(%arg48 : memref<!tpu.dma_semaphore, #tpu.memory_space<semaphore_mem>>)
    %add3A_40 = arith.constant 128 : i32
    %add3A_41 = arith.addi %mul3A_32, %add3A_40 : i32
    %dma_start3A_42 = arith.constant 128 : i32
    %dma_start3A_43 = tpu.memref_slice %arg5[%dma_start3A_42] : memref<256xi32, #tpu.memory_space<vmem>> -> memref<128xi32, #tpu.memory_space<vmem>>
    %dma_start3A_44 = tpu.memref_slice %arg2[%select_n3A, %add3A_41] : memref<4x2048xi32, #tpu.memory_space<hbm>> -> memref<1x128xi32, #tpu.memory_space<hbm>>
    %dma_start3A_45 = tpu.memref_squeeze %dma_start3A_44 : memref<1x128xi32, #tpu.memory_space<hbm>> -> memref<128xi32, #tpu.memory_space<hbm>>
    %dma_start3A_46 = arith.constant 128 : i32
    %dma_start3A_47 = tpu.memref_slice %arg5[%dma_start3A_46] : memref<256xi32, #tpu.memory_space<vmem>> -> memref<128xi32, #tpu.memory_space<vmem>>
    %dma_start3A_48 = tpu.memref_slice %arg2[%select_n3A, %add3A_41] : memref<4x2048xi32, #tpu.memory_space<hbm>> -> memref<1x128xi32, #tpu.memory_space<hbm>>
    %dma_start3A_49 = tpu.memref_squeeze %dma_start3A_48 : memref<1x128xi32, #tpu.memory_space<hbm>> -> memref<128xi32, #tpu.memory_space<hbm>>
    tpu.enqueue_dma source(%dma_start3A_49 : memref<128xi32, #tpu.memory_space<hbm>>) target(%dma_start3A_47 : memref<128xi32, #tpu.memory_space<vmem>>) target_semaphore(%arg48 : memref<!tpu.dma_semaphore, #tpu.memory_space<semaphore_mem>>)
    %dma_wait3A = arith.constant 0 : i32
    %dma_wait3A_50 = tpu.memref_slice %arg5[%dma_wait3A] : memref<256xi32, #tpu.memory_space<vmem>> -> memref<128xi32, #tpu.memory_space<vmem>>
    %dma_wait3A_51 = tpu.memref_slice %arg2[%select_n3A, %mul3A_32] : memref<4x2048xi32, #tpu.memory_space<hbm>> -> memref<1x128xi32, #tpu.memory_space<hbm>>
    %dma_wait3A_52 = tpu.memref_squeeze %dma_wait3A_51 : memref<1x128xi32, #tpu.memory_space<hbm>> -> memref<128xi32, #tpu.memory_space<hbm>>
    %dma_wait3A_53 = arith.constant 0 : i32
    %dma_wait3A_54 = tpu.memref_slice %arg5[%dma_wait3A_53] : memref<256xi32, #tpu.memory_space<vmem>> -> memref<128xi32, #tpu.memory_space<vmem>>
    %dma_wait3A_55 = tpu.memref_slice %arg2[%select_n3A, %mul3A_32] : memref<4x2048xi32, #tpu.memory_space<hbm>> -> memref<1x128xi32, #tpu.memory_space<hbm>>
    %dma_wait3A_56 = tpu.memref_squeeze %dma_wait3A_55 : memref<1x128xi32, #tpu.memory_space<hbm>> -> memref<128xi32, #tpu.memory_space<hbm>>
    tpu.wait_dma2 semaphore(%arg48 : memref<!tpu.dma_semaphore, #tpu.memory_space<semaphore_mem>>) src(%dma_wait3A_56 : memref<128xi32, #tpu.memory_space<hbm>>) dst(%dma_wait3A_54 : memref<128xi32, #tpu.memory_space<vmem>>)
    %dma_start3A_57 = arith.constant 0 : i32
    %dma_start3A_58 = tpu.memref_slice %arg5[%dma_start3A_57] : memref<256xi32, #tpu.memory_space<vmem>> -> memref<16xi32, #tpu.memory_space<vmem>>
    %dma_start3A_59 = arith.constant 0 : i32
    %dma_start3A_60 = arith.constant 0 : i32
    %dma_start3A_61 = tpu.memref_slice %arg3[%dma_start3A_59, %dma_start3A_60] : memref<50257x512xf32, #tpu.memory_space<hbm>> -> memref<50257x512xf32, #tpu.memory_space<hbm>>
    tpu.enqueue_indirect_dma source(%dma_start3A_61 : memref<50257x512xf32, #tpu.memory_space<hbm>>) target(%arg6 : memref<16x512xf32, #tpu.memory_space<vmem>>) offsets(%dma_start3A_58 : memref<16xi32, #tpu.memory_space<vmem>>) semaphore(%arg20 : memref<!tpu.dma_semaphore, #tpu.memory_space<semaphore_mem>>)
    %dma_start3A_62 = arith.constant 16 : i32
    %dma_start3A_63 = tpu.memref_slice %arg5[%dma_start3A_62] : memref<256xi32, #tpu.memory_space<vmem>> -> memref<16xi32, #tpu.memory_space<vmem>>
    %dma_start3A_64 = arith.constant 0 : i32
    %dma_start3A_65 = arith.constant 0 : i32
    %dma_start3A_66 = tpu.memref_slice %arg3[%dma_start3A_64, %dma_start3A_65] : memref<50257x512xf32, #tpu.memory_space<hbm>> -> memref<50257x512xf32, #tpu.memory_space<hbm>>
    tpu.enqueue_indirect_dma source(%dma_start3A_66 : memref<50257x512xf32, #tpu.memory_space<hbm>>) target(%arg7 : memref<16x512xf32, #tpu.memory_space<vmem>>) offsets(%dma_start3A_63 : memref<16xi32, #tpu.memory_space<vmem>>) semaphore(%arg21 : memref<!tpu.dma_semaphore, #tpu.memory_space<semaphore_mem>>)
    %dma_start3A_67 = arith.constant 32 : i32
    %dma_start3A_68 = tpu.memref_slice %arg5[%dma_start3A_67] : memref<256xi32, #tpu.memory_space<vmem>> -> memref<16xi32, #tpu.memory_space<vmem>>
    %dma_start3A_69 = arith.constant 0 : i32
    %dma_start3A_70 = arith.constant 0 : i32
    %dma_start3A_71 = tpu.memref_slice %arg3[%dma_start3A_69, %dma_start3A_70] : memref<50257x512xf32, #tpu.memory_space<hbm>> -> memref<50257x512xf32, #tpu.memory_space<hbm>>
    tpu.enqueue_indirect_dma source(%dma_start3A_71 : memref<50257x512xf32, #tpu.memory_space<hbm>>) target(%arg8 : memref<16x512xf32, #tpu.memory_space<vmem>>) offsets(%dma_start3A_68 : memref<16xi32, #tpu.memory_space<vmem>>) semaphore(%arg22 : memref<!tpu.dma_semaphore, #tpu.memory_space<semaphore_mem>>)
    %dma_start3A_72 = arith.constant 48 : i32
    %dma_start3A_73 = tpu.memref_slice %arg5[%dma_start3A_72] : memref<256xi32, #tpu.memory_space<vmem>> -> memref<16xi32, #tpu.memory_space<vmem>>
    %dma_start3A_74 = arith.constant 0 : i32
    %dma_start3A_75 = arith.constant 0 : i32
    %dma_start3A_76 = tpu.memref_slice %arg3[%dma_start3A_74, %dma_start3A_75] : memref<50257x512xf32, #tpu.memory_space<hbm>> -> memref<50257x512xf32, #tpu.memory_space<hbm>>
    tpu.enqueue_indirect_dma source(%dma_start3A_76 : memref<50257x512xf32, #tpu.memory_space<hbm>>) target(%arg9 : memref<16x512xf32, #tpu.memory_space<vmem>>) offsets(%dma_start3A_73 : memref<16xi32, #tpu.memory_space<vmem>>) semaphore(%arg23 : memref<!tpu.dma_semaphore, #tpu.memory_space<semaphore_mem>>)
    %dma_start3A_77 = arith.constant 64 : i32
    %dma_start3A_78 = tpu.memref_slice %arg5[%dma_start3A_77] : memref<256xi32, #tpu.memory_space<vmem>> -> memref<16xi32, #tpu.memory_space<vmem>>
    %dma_start3A_79 = arith.constant 0 : i32
    %dma_start3A_80 = arith.constant 0 : i32
    %dma_start3A_81 = tpu.memref_slice %arg3[%dma_start3A_79, %dma_start3A_80] : memref<50257x512xf32, #tpu.memory_space<hbm>> -> memref<50257x512xf32, #tpu.memory_space<hbm>>
    tpu.enqueue_indirect_dma source(%dma_start3A_81 : memref<50257x512xf32, #tpu.memory_space<hbm>>) target(%arg10 : memref<16x512xf32, #tpu.memory_space<vmem>>) offsets(%dma_start3A_78 : memref<16xi32, #tpu.memory_space<vmem>>) semaphore(%arg24 : memref<!tpu.dma_semaphore, #tpu.memory_space<semaphore_mem>>)
    %dma_start3A_82 = arith.constant 80 : i32
    %dma_start3A_83 = tpu.memref_slice %arg5[%dma_start3A_82] : memref<256xi32, #tpu.memory_space<vmem>> -> memref<16xi32, #tpu.memory_space<vmem>>
    %dma_start3A_84 = arith.constant 0 : i32
    %dma_start3A_85 = arith.constant 0 : i32
    %dma_start3A_86 = tpu.memref_slice %arg3[%dma_start3A_84, %dma_start3A_85] : memref<50257x512xf32, #tpu.memory_space<hbm>> -> memref<50257x512xf32, #tpu.memory_space<hbm>>
    tpu.enqueue_indirect_dma source(%dma_start3A_86 : memref<50257x512xf32, #tpu.memory_space<hbm>>) target(%arg11 : memref<16x512xf32, #tpu.memory_space<vmem>>) offsets(%dma_start3A_83 : memref<16xi32, #tpu.memory_space<vmem>>) semaphore(%arg25 : memref<!tpu.dma_semaphore, #tpu.memory_space<semaphore_mem>>)
    %dma_start3A_87 = arith.constant 96 : i32
    %dma_start3A_88 = tpu.memref_slice %arg5[%dma_start3A_87] : memref<256xi32, #tpu.memory_space<vmem>> -> memref<16xi32, #tpu.memory_space<vmem>>
    %dma_start3A_89 = arith.constant 0 : i32
    %dma_start3A_90 = arith.constant 0 : i32
    %dma_start3A_91 = tpu.memref_slice %arg3[%dma_start3A_89, %dma_start3A_90] : memref<50257x512xf32, #tpu.memory_space<hbm>> -> memref<50257x512xf32, #tpu.memory_space<hbm>>
    tpu.enqueue_indirect_dma source(%dma_start3A_91 : memref<50257x512xf32, #tpu.memory_space<hbm>>) target(%arg12 : memref<16x512xf32, #tpu.memory_space<vmem>>) offsets(%dma_start3A_88 : memref<16xi32, #tpu.memory_space<vmem>>) semaphore(%arg26 : memref<!tpu.dma_semaphore, #tpu.memory_space<semaphore_mem>>)
    %dma_start3A_92 = arith.constant 112 : i32
    %dma_start3A_93 = tpu.memref_slice %arg5[%dma_start3A_92] : memref<256xi32, #tpu.memory_space<vmem>> -> memref<16xi32, #tpu.memory_space<vmem>>
    %dma_start3A_94 = arith.constant 0 : i32
    %dma_start3A_95 = arith.constant 0 : i32
    %dma_start3A_96 = tpu.memref_slice %arg3[%dma_start3A_94, %dma_start3A_95] : memref<50257x512xf32, #tpu.memory_space<hbm>> -> memref<50257x512xf32, #tpu.memory_space<hbm>>
    tpu.enqueue_indirect_dma source(%dma_start3A_96 : memref<50257x512xf32, #tpu.memory_space<hbm>>) target(%arg13 : memref<16x512xf32, #tpu.memory_space<vmem>>) offsets(%dma_start3A_93 : memref<16xi32, #tpu.memory_space<vmem>>) semaphore(%arg27 : memref<!tpu.dma_semaphore, #tpu.memory_space<semaphore_mem>>)
    %dma_wait3A_97 = arith.constant 128 : i32
    %dma_wait3A_98 = tpu.memref_slice %arg5[%dma_wait3A_97] : memref<256xi32, #tpu.memory_space<vmem>> -> memref<128xi32, #tpu.memory_space<vmem>>
    %dma_wait3A_99 = tpu.memref_slice %arg2[%select_n3A, %add3A_41] : memref<4x2048xi32, #tpu.memory_space<hbm>> -> memref<1x128xi32, #tpu.memory_space<hbm>>
    %dma_wait3A_100 = tpu.memref_squeeze %dma_wait3A_99 : memref<1x128xi32, #tpu.memory_space<hbm>> -> memref<128xi32, #tpu.memory_space<hbm>>
    %dma_wait3A_101 = arith.constant 128 : i32
    %dma_wait3A_102 = tpu.memref_slice %arg5[%dma_wait3A_101] : memref<256xi32, #tpu.memory_space<vmem>> -> memref<128xi32, #tpu.memory_space<vmem>>
    %dma_wait3A_103 = tpu.memref_slice %arg2[%select_n3A, %add3A_41] : memref<4x2048xi32, #tpu.memory_space<hbm>> -> memref<1x128xi32, #tpu.memory_space<hbm>>
    %dma_wait3A_104 = tpu.memref_squeeze %dma_wait3A_103 : memref<1x128xi32, #tpu.memory_space<hbm>> -> memref<128xi32, #tpu.memory_space<hbm>>
    tpu.wait_dma2 semaphore(%arg48 : memref<!tpu.dma_semaphore, #tpu.memory_space<semaphore_mem>>) src(%dma_wait3A_104 : memref<128xi32, #tpu.memory_space<hbm>>) dst(%dma_wait3A_102 : memref<128xi32, #tpu.memory_space<vmem>>)
    %dma_start3A_105 = arith.constant 128 : i32
    %dma_start3A_106 = tpu.memref_slice %arg5[%dma_start3A_105] : memref<256xi32, #tpu.memory_space<vmem>> -> memref<16xi32, #tpu.memory_space<vmem>>
    %dma_start3A_107 = arith.constant 0 : i32
    %dma_start3A_108 = arith.constant 0 : i32
    %dma_start3A_109 = tpu.memref_slice %arg3[%dma_start3A_107, %dma_start3A_108] : memref<50257x512xf32, #tpu.memory_space<hbm>> -> memref<50257x512xf32, #tpu.memory_space<hbm>>
    tpu.enqueue_indirect_dma source(%dma_start3A_109 : memref<50257x512xf32, #tpu.memory_space<hbm>>) target(%arg14 : memref<16x512xf32, #tpu.memory_space<vmem>>) offsets(%dma_start3A_106 : memref<16xi32, #tpu.memory_space<vmem>>) semaphore(%arg28 : memref<!tpu.dma_semaphore, #tpu.memory_space<semaphore_mem>>)
    %dma_start3A_110 = arith.constant 144 : i32
    %dma_start3A_111 = tpu.memref_slice %arg5[%dma_start3A_110] : memref<256xi32, #tpu.memory_space<vmem>> -> memref<16xi32, #tpu.memory_space<vmem>>
    %dma_start3A_112 = arith.constant 0 : i32
    %dma_start3A_113 = arith.constant 0 : i32
    %dma_start3A_114 = tpu.memref_slice %arg3[%dma_start3A_112, %dma_start3A_113] : memref<50257x512xf32, #tpu.memory_space<hbm>> -> memref<50257x512xf32, #tpu.memory_space<hbm>>
    tpu.enqueue_indirect_dma source(%dma_start3A_114 : memref<50257x512xf32, #tpu.memory_space<hbm>>) target(%arg15 : memref<16x512xf32, #tpu.memory_space<vmem>>) offsets(%dma_start3A_111 : memref<16xi32, #tpu.memory_space<vmem>>) semaphore(%arg29 : memref<!tpu.dma_semaphore, #tpu.memory_space<semaphore_mem>>)
    %dma_start3A_115 = arith.constant 160 : i32
    %dma_start3A_116 = tpu.memref_slice %arg5[%dma_start3A_115] : memref<256xi32, #tpu.memory_space<vmem>> -> memref<16xi32, #tpu.memory_space<vmem>>
    %dma_start3A_117 = arith.constant 0 : i32
    %dma_start3A_118 = arith.constant 0 : i32
    %dma_start3A_119 = tpu.memref_slice %arg3[%dma_start3A_117, %dma_start3A_118] : memref<50257x512xf32, #tpu.memory_space<hbm>> -> memref<50257x512xf32, #tpu.memory_space<hbm>>
    tpu.enqueue_indirect_dma source(%dma_start3A_119 : memref<50257x512xf32, #tpu.memory_space<hbm>>) target(%arg16 : memref<16x512xf32, #tpu.memory_space<vmem>>) offsets(%dma_start3A_116 : memref<16xi32, #tpu.memory_space<vmem>>) semaphore(%arg30 : memref<!tpu.dma_semaphore, #tpu.memory_space<semaphore_mem>>)
    %dma_start3A_120 = arith.constant 176 : i32
    %dma_start3A_121 = tpu.memref_slice %arg5[%dma_start3A_120] : memref<256xi32, #tpu.memory_space<vmem>> -> memref<16xi32, #tpu.memory_space<vmem>>
    %dma_start3A_122 = arith.constant 0 : i32
    %dma_start3A_123 = arith.constant 0 : i32
    %dma_start3A_124 = tpu.memref_slice %arg3[%dma_start3A_122, %dma_start3A_123] : memref<50257x512xf32, #tpu.memory_space<hbm>> -> memref<50257x512xf32, #tpu.memory_space<hbm>>
    tpu.enqueue_indirect_dma source(%dma_start3A_124 : memref<50257x512xf32, #tpu.memory_space<hbm>>) target(%arg17 : memref<16x512xf32, #tpu.memory_space<vmem>>) offsets(%dma_start3A_121 : memref<16xi32, #tpu.memory_space<vmem>>) semaphore(%arg31 : memref<!tpu.dma_semaphore, #tpu.memory_space<semaphore_mem>>)
    %dma_start3A_125 = arith.constant 192 : i32
    %dma_start3A_126 = tpu.memref_slice %arg5[%dma_start3A_125] : memref<256xi32, #tpu.memory_space<vmem>> -> memref<16xi32, #tpu.memory_space<vmem>>
    %dma_start3A_127 = arith.constant 0 : i32
    %dma_start3A_128 = arith.constant 0 : i32
    %dma_start3A_129 = tpu.memref_slice %arg3[%dma_start3A_127, %dma_start3A_128] : memref<50257x512xf32, #tpu.memory_space<hbm>> -> memref<50257x512xf32, #tpu.memory_space<hbm>>
    tpu.enqueue_indirect_dma source(%dma_start3A_129 : memref<50257x512xf32, #tpu.memory_space<hbm>>) target(%arg18 : memref<16x512xf32, #tpu.memory_space<vmem>>) offsets(%dma_start3A_126 : memref<16xi32, #tpu.memory_space<vmem>>) semaphore(%arg32 : memref<!tpu.dma_semaphore, #tpu.memory_space<semaphore_mem>>)
    %dma_start3A_130 = arith.constant 208 : i32
    %dma_start3A_131 = tpu.memref_slice %arg5[%dma_start3A_130] : memref<256xi32, #tpu.memory_space<vmem>> -> memref<16xi32, #tpu.memory_space<vmem>>
    %dma_start3A_132 = arith.constant 0 : i32
    %dma_start3A_133 = arith.constant 0 : i32
    %dma_start3A_134 = tpu.memref_slice %arg3[%dma_start3A_132, %dma_start3A_133] : memref<50257x512xf32, #tpu.memory_space<hbm>> -> memref<50257x512xf32, #tpu.memory_space<hbm>>
    tpu.enqueue_indirect_dma source(%dma_start3A_134 : memref<50257x512xf32, #tpu.memory_space<hbm>>) target(%arg19 : memref<16x512xf32, #tpu.memory_space<vmem>>) offsets(%dma_start3A_131 : memref<16xi32, #tpu.memory_space<vmem>>) semaphore(%arg33 : memref<!tpu.dma_semaphore, #tpu.memory_space<semaphore_mem>>)
    %dma_wait3A_135 = arith.constant 0 : i32
    %dma_wait3A_136 = tpu.memref_slice %arg5[%dma_wait3A_135] : memref<256xi32, #tpu.memory_space<vmem>> -> memref<16xi32, #tpu.memory_space<vmem>>
    %dma_wait3A_137 = arith.constant 0 : i32
    %dma_wait3A_138 = arith.constant 0 : i32
    %dma_wait3A_139 = tpu.memref_slice %arg3[%dma_wait3A_137, %dma_wait3A_138] : memref<50257x512xf32, #tpu.memory_space<hbm>> -> memref<50257x512xf32, #tpu.memory_space<hbm>>
    tpu.wait_indirect_dma semaphore(%arg20 : memref<!tpu.dma_semaphore, #tpu.memory_space<semaphore_mem>>) src(%dma_wait3A_139 : memref<50257x512xf32, #tpu.memory_space<hbm>>) dst(%arg6 : memref<16x512xf32, #tpu.memory_space<vmem>>)
    %add3A_140 = arith.constant 0 : i32
    %add3A_141 = arith.addi %mul3A_32, %add3A_140 : i32
    %dma_start3A_142 = arith.constant 0 : i32
    %dma_start3A_143 = tpu.memref_slice %arg4[%select_n3A, %add3A_141, %dma_start3A_142] : memref<4x2048x512xf32, #tpu.memory_space<hbm>> -> memref<1x16x512xf32, #tpu.memory_space<hbm>>
    %dma_start3A_144 = tpu.memref_squeeze %dma_start3A_143 : memref<1x16x512xf32, #tpu.memory_space<hbm>> -> memref<16x512xf32, #tpu.memory_space<hbm>>
    %dma_start3A_145 = arith.constant 0 : i32
    %dma_start3A_146 = tpu.memref_slice %arg4[%select_n3A, %add3A_141, %dma_start3A_145] : memref<4x2048x512xf32, #tpu.memory_space<hbm>> -> memref<1x16x512xf32, #tpu.memory_space<hbm>>
    %dma_start3A_147 = tpu.memref_squeeze %dma_start3A_146 : memref<1x16x512xf32, #tpu.memory_space<hbm>> -> memref<16x512xf32, #tpu.memory_space<hbm>>
    tpu.enqueue_dma source(%arg6 : memref<16x512xf32, #tpu.memory_space<vmem>>) target(%dma_start3A_147 : memref<16x512xf32, #tpu.memory_space<hbm>>) target_semaphore(%arg34 : memref<!tpu.dma_semaphore, #tpu.memory_space<semaphore_mem>>)
    %dma_wait3A_148 = arith.constant 16 : i32
    %dma_wait3A_149 = tpu.memref_slice %arg5[%dma_wait3A_148] : memref<256xi32, #tpu.memory_space<vmem>> -> memref<16xi32, #tpu.memory_space<vmem>>
    %dma_wait3A_150 = arith.constant 0 : i32
    %dma_wait3A_151 = arith.constant 0 : i32
    %dma_wait3A_152 = tpu.memref_slice %arg3[%dma_wait3A_150, %dma_wait3A_151] : memref<50257x512xf32, #tpu.memory_space<hbm>> -> memref<50257x512xf32, #tpu.memory_space<hbm>>
    tpu.wait_indirect_dma semaphore(%arg21 : memref<!tpu.dma_semaphore, #tpu.memory_space<semaphore_mem>>) src(%dma_wait3A_152 : memref<50257x512xf32, #tpu.memory_space<hbm>>) dst(%arg7 : memref<16x512xf32, #tpu.memory_space<vmem>>)
    %add3A_153 = arith.constant 16 : i32
    %add3A_154 = arith.addi %mul3A_32, %add3A_153 : i32
    %dma_start3A_155 = arith.constant 0 : i32
    %dma_start3A_156 = tpu.memref_slice %arg4[%select_n3A, %add3A_154, %dma_start3A_155] : memref<4x2048x512xf32, #tpu.memory_space<hbm>> -> memref<1x16x512xf32, #tpu.memory_space<hbm>>
    %dma_start3A_157 = tpu.memref_squeeze %dma_start3A_156 : memref<1x16x512xf32, #tpu.memory_space<hbm>> -> memref<16x512xf32, #tpu.memory_space<hbm>>
    %dma_start3A_158 = arith.constant 0 : i32
    %dma_start3A_159 = tpu.memref_slice %arg4[%select_n3A, %add3A_154, %dma_start3A_158] : memref<4x2048x512xf32, #tpu.memory_space<hbm>> -> memref<1x16x512xf32, #tpu.memory_space<hbm>>
    %dma_start3A_160 = tpu.memref_squeeze %dma_start3A_159 : memref<1x16x512xf32, #tpu.memory_space<hbm>> -> memref<16x512xf32, #tpu.memory_space<hbm>>
    tpu.enqueue_dma source(%arg7 : memref<16x512xf32, #tpu.memory_space<vmem>>) target(%dma_start3A_160 : memref<16x512xf32, #tpu.memory_space<hbm>>) target_semaphore(%arg35 : memref<!tpu.dma_semaphore, #tpu.memory_space<semaphore_mem>>)
    %dma_wait3A_161 = arith.constant 32 : i32
    %dma_wait3A_162 = tpu.memref_slice %arg5[%dma_wait3A_161] : memref<256xi32, #tpu.memory_space<vmem>> -> memref<16xi32, #tpu.memory_space<vmem>>
    %dma_wait3A_163 = arith.constant 0 : i32
    %dma_wait3A_164 = arith.constant 0 : i32
    %dma_wait3A_165 = tpu.memref_slice %arg3[%dma_wait3A_163, %dma_wait3A_164] : memref<50257x512xf32, #tpu.memory_space<hbm>> -> memref<50257x512xf32, #tpu.memory_space<hbm>>
    tpu.wait_indirect_dma semaphore(%arg22 : memref<!tpu.dma_semaphore, #tpu.memory_space<semaphore_mem>>) src(%dma_wait3A_165 : memref<50257x512xf32, #tpu.memory_space<hbm>>) dst(%arg8 : memref<16x512xf32, #tpu.memory_space<vmem>>)
    %add3A_166 = arith.constant 32 : i32
    %add3A_167 = arith.addi %mul3A_32, %add3A_166 : i32
    %dma_start3A_168 = arith.constant 0 : i32
    %dma_start3A_169 = tpu.memref_slice %arg4[%select_n3A, %add3A_167, %dma_start3A_168] : memref<4x2048x512xf32, #tpu.memory_space<hbm>> -> memref<1x16x512xf32, #tpu.memory_space<hbm>>
    %dma_start3A_170 = tpu.memref_squeeze %dma_start3A_169 : memref<1x16x512xf32, #tpu.memory_space<hbm>> -> memref<16x512xf32, #tpu.memory_space<hbm>>
    %dma_start3A_171 = arith.constant 0 : i32
    %dma_start3A_172 = tpu.memref_slice %arg4[%select_n3A, %add3A_167, %dma_start3A_171] : memref<4x2048x512xf32, #tpu.memory_space<hbm>> -> memref<1x16x512xf32, #tpu.memory_space<hbm>>
    %dma_start3A_173 = tpu.memref_squeeze %dma_start3A_172 : memref<1x16x512xf32, #tpu.memory_space<hbm>> -> memref<16x512xf32, #tpu.memory_space<hbm>>
    tpu.enqueue_dma source(%arg8 : memref<16x512xf32, #tpu.memory_space<vmem>>) target(%dma_start3A_173 : memref<16x512xf32, #tpu.memory_space<hbm>>) target_semaphore(%arg36 : memref<!tpu.dma_semaphore, #tpu.memory_space<semaphore_mem>>)
    %dma_wait3A_174 = arith.constant 0 : i32
    %dma_wait3A_175 = tpu.memref_slice %arg4[%select_n3A, %add3A_141, %dma_wait3A_174] : memref<4x2048x512xf32, #tpu.memory_space<hbm>> -> memref<1x16x512xf32, #tpu.memory_space<hbm>>
    %dma_wait3A_176 = tpu.memref_squeeze %dma_wait3A_175 : memref<1x16x512xf32, #tpu.memory_space<hbm>> -> memref<16x512xf32, #tpu.memory_space<hbm>>
    %dma_wait3A_177 = arith.constant 0 : i32
    %dma_wait3A_178 = tpu.memref_slice %arg4[%select_n3A, %add3A_141, %dma_wait3A_177] : memref<4x2048x512xf32, #tpu.memory_space<hbm>> -> memref<1x16x512xf32, #tpu.memory_space<hbm>>
    %dma_wait3A_179 = tpu.memref_squeeze %dma_wait3A_178 : memref<1x16x512xf32, #tpu.memory_space<hbm>> -> memref<16x512xf32, #tpu.memory_space<hbm>>
    tpu.wait_dma2 semaphore(%arg34 : memref<!tpu.dma_semaphore, #tpu.memory_space<semaphore_mem>>) src(%arg6 : memref<16x512xf32, #tpu.memory_space<vmem>>) dst(%dma_wait3A_179 : memref<16x512xf32, #tpu.memory_space<hbm>>)
    %dma_start3A_180 = arith.constant 224 : i32
    %dma_start3A_181 = tpu.memref_slice %arg5[%dma_start3A_180] : memref<256xi32, #tpu.memory_space<vmem>> -> memref<16xi32, #tpu.memory_space<vmem>>
    %dma_start3A_182 = arith.constant 0 : i32
    %dma_start3A_183 = arith.constant 0 : i32
    %dma_start3A_184 = tpu.memref_slice %arg3[%dma_start3A_182, %dma_start3A_183] : memref<50257x512xf32, #tpu.memory_space<hbm>> -> memref<50257x512xf32, #tpu.memory_space<hbm>>
    tpu.enqueue_indirect_dma source(%dma_start3A_184 : memref<50257x512xf32, #tpu.memory_space<hbm>>) target(%arg6 : memref<16x512xf32, #tpu.memory_space<vmem>>) offsets(%dma_start3A_181 : memref<16xi32, #tpu.memory_space<vmem>>) semaphore(%arg20 : memref<!tpu.dma_semaphore, #tpu.memory_space<semaphore_mem>>)
    %dma_wait3A_185 = arith.constant 48 : i32
    %dma_wait3A_186 = tpu.memref_slice %arg5[%dma_wait3A_185] : memref<256xi32, #tpu.memory_space<vmem>> -> memref<16xi32, #tpu.memory_space<vmem>>
    %dma_wait3A_187 = arith.constant 0 : i32
    %dma_wait3A_188 = arith.constant 0 : i32
    %dma_wait3A_189 = tpu.memref_slice %arg3[%dma_wait3A_187, %dma_wait3A_188] : memref<50257x512xf32, #tpu.memory_space<hbm>> -> memref<50257x512xf32, #tpu.memory_space<hbm>>
    tpu.wait_indirect_dma semaphore(%arg23 : memref<!tpu.dma_semaphore, #tpu.memory_space<semaphore_mem>>) src(%dma_wait3A_189 : memref<50257x512xf32, #tpu.memory_space<hbm>>) dst(%arg9 : memref<16x512xf32, #tpu.memory_space<vmem>>)
    %add3A_190 = arith.constant 48 : i32
    %add3A_191 = arith.addi %mul3A_32, %add3A_190 : i32
    %dma_start3A_192 = arith.constant 0 : i32
    %dma_start3A_193 = tpu.memref_slice %arg4[%select_n3A, %add3A_191, %dma_start3A_192] : memref<4x2048x512xf32, #tpu.memory_space<hbm>> -> memref<1x16x512xf32, #tpu.memory_space<hbm>>
    %dma_start3A_194 = tpu.memref_squeeze %dma_start3A_193 : memref<1x16x512xf32, #tpu.memory_space<hbm>> -> memref<16x512xf32, #tpu.memory_space<hbm>>
    %dma_start3A_195 = arith.constant 0 : i32
    %dma_start3A_196 = tpu.memref_slice %arg4[%select_n3A, %add3A_191, %dma_start3A_195] : memref<4x2048x512xf32, #tpu.memory_space<hbm>> -> memref<1x16x512xf32, #tpu.memory_space<hbm>>
    %dma_start3A_197 = tpu.memref_squeeze %dma_start3A_196 : memref<1x16x512xf32, #tpu.memory_space<hbm>> -> memref<16x512xf32, #tpu.memory_space<hbm>>
    tpu.enqueue_dma source(%arg9 : memref<16x512xf32, #tpu.memory_space<vmem>>) target(%dma_start3A_197 : memref<16x512xf32, #tpu.memory_space<hbm>>) target_semaphore(%arg37 : memref<!tpu.dma_semaphore, #tpu.memory_space<semaphore_mem>>)
    %dma_wait3A_198 = arith.constant 0 : i32
    %dma_wait3A_199 = tpu.memref_slice %arg4[%select_n3A, %add3A_154, %dma_wait3A_198] : memref<4x2048x512xf32, #tpu.memory_space<hbm>> -> memref<1x16x512xf32, #tpu.memory_space<hbm>>
    %dma_wait3A_200 = tpu.memref_squeeze %dma_wait3A_199 : memref<1x16x512xf32, #tpu.memory_space<hbm>> -> memref<16x512xf32, #tpu.memory_space<hbm>>
    %dma_wait3A_201 = arith.constant 0 : i32
    %dma_wait3A_202 = tpu.memref_slice %arg4[%select_n3A, %add3A_154, %dma_wait3A_201] : memref<4x2048x512xf32, #tpu.memory_space<hbm>> -> memref<1x16x512xf32, #tpu.memory_space<hbm>>
    %dma_wait3A_203 = tpu.memref_squeeze %dma_wait3A_202 : memref<1x16x512xf32, #tpu.memory_space<hbm>> -> memref<16x512xf32, #tpu.memory_space<hbm>>
    tpu.wait_dma2 semaphore(%arg35 : memref<!tpu.dma_semaphore, #tpu.memory_space<semaphore_mem>>) src(%arg7 : memref<16x512xf32, #tpu.memory_space<vmem>>) dst(%dma_wait3A_203 : memref<16x512xf32, #tpu.memory_space<hbm>>)
    %dma_start3A_204 = arith.constant 240 : i32
    %dma_start3A_205 = tpu.memref_slice %arg5[%dma_start3A_204] : memref<256xi32, #tpu.memory_space<vmem>> -> memref<16xi32, #tpu.memory_space<vmem>>
    %dma_start3A_206 = arith.constant 0 : i32
    %dma_start3A_207 = arith.constant 0 : i32
    %dma_start3A_208 = tpu.memref_slice %arg3[%dma_start3A_206, %dma_start3A_207] : memref<50257x512xf32, #tpu.memory_space<hbm>> -> memref<50257x512xf32, #tpu.memory_space<hbm>>
    tpu.enqueue_indirect_dma source(%dma_start3A_208 : memref<50257x512xf32, #tpu.memory_space<hbm>>) target(%arg7 : memref<16x512xf32, #tpu.memory_space<vmem>>) offsets(%dma_start3A_205 : memref<16xi32, #tpu.memory_space<vmem>>) semaphore(%arg21 : memref<!tpu.dma_semaphore, #tpu.memory_space<semaphore_mem>>)
    %dma_wait3A_209 = arith.constant 64 : i32
    %dma_wait3A_210 = tpu.memref_slice %arg5[%dma_wait3A_209] : memref<256xi32, #tpu.memory_space<vmem>> -> memref<16xi32, #tpu.memory_space<vmem>>
    %dma_wait3A_211 = arith.constant 0 : i32
    %dma_wait3A_212 = arith.constant 0 : i32
    %dma_wait3A_213 = tpu.memref_slice %arg3[%dma_wait3A_211, %dma_wait3A_212] : memref<50257x512xf32, #tpu.memory_space<hbm>> -> memref<50257x512xf32, #tpu.memory_space<hbm>>
    tpu.wait_indirect_dma semaphore(%arg24 : memref<!tpu.dma_semaphore, #tpu.memory_space<semaphore_mem>>) src(%dma_wait3A_213 : memref<50257x512xf32, #tpu.memory_space<hbm>>) dst(%arg10 : memref<16x512xf32, #tpu.memory_space<vmem>>)
    %add3A_214 = arith.constant 64 : i32
    %add3A_215 = arith.addi %mul3A_32, %add3A_214 : i32
    %dma_start3A_216 = arith.constant 0 : i32
    %dma_start3A_217 = tpu.memref_slice %arg4[%select_n3A, %add3A_215, %dma_start3A_216] : memref<4x2048x512xf32, #tpu.memory_space<hbm>> -> memref<1x16x512xf32, #tpu.memory_space<hbm>>
    %dma_start3A_218 = tpu.memref_squeeze %dma_start3A_217 : memref<1x16x512xf32, #tpu.memory_space<hbm>> -> memref<16x512xf32, #tpu.memory_space<hbm>>
    %dma_start3A_219 = arith.constant 0 : i32
    %dma_start3A_220 = tpu.memref_slice %arg4[%select_n3A, %add3A_215, %dma_start3A_219] : memref<4x2048x512xf32, #tpu.memory_space<hbm>> -> memref<1x16x512xf32, #tpu.memory_space<hbm>>
    %dma_start3A_221 = tpu.memref_squeeze %dma_start3A_220 : memref<1x16x512xf32, #tpu.memory_space<hbm>> -> memref<16x512xf32, #tpu.memory_space<hbm>>
    tpu.enqueue_dma source(%arg10 : memref<16x512xf32, #tpu.memory_space<vmem>>) target(%dma_start3A_221 : memref<16x512xf32, #tpu.memory_space<hbm>>) target_semaphore(%arg38 : memref<!tpu.dma_semaphore, #tpu.memory_space<semaphore_mem>>)
    %dma_wait3A_222 = arith.constant 80 : i32
    %dma_wait3A_223 = tpu.memref_slice %arg5[%dma_wait3A_222] : memref<256xi32, #tpu.memory_space<vmem>> -> memref<16xi32, #tpu.memory_space<vmem>>
    %dma_wait3A_224 = arith.constant 0 : i32
    %dma_wait3A_225 = arith.constant 0 : i32
    %dma_wait3A_226 = tpu.memref_slice %arg3[%dma_wait3A_224, %dma_wait3A_225] : memref<50257x512xf32, #tpu.memory_space<hbm>> -> memref<50257x512xf32, #tpu.memory_space<hbm>>
    tpu.wait_indirect_dma semaphore(%arg25 : memref<!tpu.dma_semaphore, #tpu.memory_space<semaphore_mem>>) src(%dma_wait3A_226 : memref<50257x512xf32, #tpu.memory_space<hbm>>) dst(%arg11 : memref<16x512xf32, #tpu.memory_space<vmem>>)
    %add3A_227 = arith.constant 80 : i32
    %add3A_228 = arith.addi %mul3A_32, %add3A_227 : i32
    %dma_start3A_229 = arith.constant 0 : i32
    %dma_start3A_230 = tpu.memref_slice %arg4[%select_n3A, %add3A_228, %dma_start3A_229] : memref<4x2048x512xf32, #tpu.memory_space<hbm>> -> memref<1x16x512xf32, #tpu.memory_space<hbm>>
    %dma_start3A_231 = tpu.memref_squeeze %dma_start3A_230 : memref<1x16x512xf32, #tpu.memory_space<hbm>> -> memref<16x512xf32, #tpu.memory_space<hbm>>
    %dma_start3A_232 = arith.constant 0 : i32
    %dma_start3A_233 = tpu.memref_slice %arg4[%select_n3A, %add3A_228, %dma_start3A_232] : memref<4x2048x512xf32, #tpu.memory_space<hbm>> -> memref<1x16x512xf32, #tpu.memory_space<hbm>>
    %dma_start3A_234 = tpu.memref_squeeze %dma_start3A_233 : memref<1x16x512xf32, #tpu.memory_space<hbm>> -> memref<16x512xf32, #tpu.memory_space<hbm>>
    tpu.enqueue_dma source(%arg11 : memref<16x512xf32, #tpu.memory_space<vmem>>) target(%dma_start3A_234 : memref<16x512xf32, #tpu.memory_space<hbm>>) target_semaphore(%arg39 : memref<!tpu.dma_semaphore, #tpu.memory_space<semaphore_mem>>)
    %dma_wait3A_235 = arith.constant 96 : i32
    %dma_wait3A_236 = tpu.memref_slice %arg5[%dma_wait3A_235] : memref<256xi32, #tpu.memory_space<vmem>> -> memref<16xi32, #tpu.memory_space<vmem>>
    %dma_wait3A_237 = arith.constant 0 : i32
    %dma_wait3A_238 = arith.constant 0 : i32
    %dma_wait3A_239 = tpu.memref_slice %arg3[%dma_wait3A_237, %dma_wait3A_238] : memref<50257x512xf32, #tpu.memory_space<hbm>> -> memref<50257x512xf32, #tpu.memory_space<hbm>>
    tpu.wait_indirect_dma semaphore(%arg26 : memref<!tpu.dma_semaphore, #tpu.memory_space<semaphore_mem>>) src(%dma_wait3A_239 : memref<50257x512xf32, #tpu.memory_space<hbm>>) dst(%arg12 : memref<16x512xf32, #tpu.memory_space<vmem>>)
    %add3A_240 = arith.constant 96 : i32
    %add3A_241 = arith.addi %mul3A_32, %add3A_240 : i32
    %dma_start3A_242 = arith.constant 0 : i32
    %dma_start3A_243 = tpu.memref_slice %arg4[%select_n3A, %add3A_241, %dma_start3A_242] : memref<4x2048x512xf32, #tpu.memory_space<hbm>> -> memref<1x16x512xf32, #tpu.memory_space<hbm>>
    %dma_start3A_244 = tpu.memref_squeeze %dma_start3A_243 : memref<1x16x512xf32, #tpu.memory_space<hbm>> -> memref<16x512xf32, #tpu.memory_space<hbm>>
    %dma_start3A_245 = arith.constant 0 : i32
    %dma_start3A_246 = tpu.memref_slice %arg4[%select_n3A, %add3A_241, %dma_start3A_245] : memref<4x2048x512xf32, #tpu.memory_space<hbm>> -> memref<1x16x512xf32, #tpu.memory_space<hbm>>
    %dma_start3A_247 = tpu.memref_squeeze %dma_start3A_246 : memref<1x16x512xf32, #tpu.memory_space<hbm>> -> memref<16x512xf32, #tpu.memory_space<hbm>>
    tpu.enqueue_dma source(%arg12 : memref<16x512xf32, #tpu.memory_space<vmem>>) target(%dma_start3A_247 : memref<16x512xf32, #tpu.memory_space<hbm>>) target_semaphore(%arg40 : memref<!tpu.dma_semaphore, #tpu.memory_space<semaphore_mem>>)
    %dma_wait3A_248 = arith.constant 112 : i32
    %dma_wait3A_249 = tpu.memref_slice %arg5[%dma_wait3A_248] : memref<256xi32, #tpu.memory_space<vmem>> -> memref<16xi32, #tpu.memory_space<vmem>>
    %dma_wait3A_250 = arith.constant 0 : i32
    %dma_wait3A_251 = arith.constant 0 : i32
    %dma_wait3A_252 = tpu.memref_slice %arg3[%dma_wait3A_250, %dma_wait3A_251] : memref<50257x512xf32, #tpu.memory_space<hbm>> -> memref<50257x512xf32, #tpu.memory_space<hbm>>
    tpu.wait_indirect_dma semaphore(%arg27 : memref<!tpu.dma_semaphore, #tpu.memory_space<semaphore_mem>>) src(%dma_wait3A_252 : memref<50257x512xf32, #tpu.memory_space<hbm>>) dst(%arg13 : memref<16x512xf32, #tpu.memory_space<vmem>>)
    %add3A_253 = arith.constant 112 : i32
    %add3A_254 = arith.addi %mul3A_32, %add3A_253 : i32
    %dma_start3A_255 = arith.constant 0 : i32
    %dma_start3A_256 = tpu.memref_slice %arg4[%select_n3A, %add3A_254, %dma_start3A_255] : memref<4x2048x512xf32, #tpu.memory_space<hbm>> -> memref<1x16x512xf32, #tpu.memory_space<hbm>>
    %dma_start3A_257 = tpu.memref_squeeze %dma_start3A_256 : memref<1x16x512xf32, #tpu.memory_space<hbm>> -> memref<16x512xf32, #tpu.memory_space<hbm>>
    %dma_start3A_258 = arith.constant 0 : i32
    %dma_start3A_259 = tpu.memref_slice %arg4[%select_n3A, %add3A_254, %dma_start3A_258] : memref<4x2048x512xf32, #tpu.memory_space<hbm>> -> memref<1x16x512xf32, #tpu.memory_space<hbm>>
    %dma_start3A_260 = tpu.memref_squeeze %dma_start3A_259 : memref<1x16x512xf32, #tpu.memory_space<hbm>> -> memref<16x512xf32, #tpu.memory_space<hbm>>
    tpu.enqueue_dma source(%arg13 : memref<16x512xf32, #tpu.memory_space<vmem>>) target(%dma_start3A_260 : memref<16x512xf32, #tpu.memory_space<hbm>>) target_semaphore(%arg41 : memref<!tpu.dma_semaphore, #tpu.memory_space<semaphore_mem>>)
    %dma_wait3A_261 = arith.constant 128 : i32
    %dma_wait3A_262 = tpu.memref_slice %arg5[%dma_wait3A_261] : memref<256xi32, #tpu.memory_space<vmem>> -> memref<16xi32, #tpu.memory_space<vmem>>
    %dma_wait3A_263 = arith.constant 0 : i32
    %dma_wait3A_264 = arith.constant 0 : i32
    %dma_wait3A_265 = tpu.memref_slice %arg3[%dma_wait3A_263, %dma_wait3A_264] : memref<50257x512xf32, #tpu.memory_space<hbm>> -> memref<50257x512xf32, #tpu.memory_space<hbm>>
    tpu.wait_indirect_dma semaphore(%arg28 : memref<!tpu.dma_semaphore, #tpu.memory_space<semaphore_mem>>) src(%dma_wait3A_265 : memref<50257x512xf32, #tpu.memory_space<hbm>>) dst(%arg14 : memref<16x512xf32, #tpu.memory_space<vmem>>)
    %add3A_266 = arith.constant 128 : i32
    %add3A_267 = arith.addi %mul3A_32, %add3A_266 : i32
    %dma_start3A_268 = arith.constant 0 : i32
    %dma_start3A_269 = tpu.memref_slice %arg4[%select_n3A, %add3A_267, %dma_start3A_268] : memref<4x2048x512xf32, #tpu.memory_space<hbm>> -> memref<1x16x512xf32, #tpu.memory_space<hbm>>
    %dma_start3A_270 = tpu.memref_squeeze %dma_start3A_269 : memref<1x16x512xf32, #tpu.memory_space<hbm>> -> memref<16x512xf32, #tpu.memory_space<hbm>>
    %dma_start3A_271 = arith.constant 0 : i32
    %dma_start3A_272 = tpu.memref_slice %arg4[%select_n3A, %add3A_267, %dma_start3A_271] : memref<4x2048x512xf32, #tpu.memory_space<hbm>> -> memref<1x16x512xf32, #tpu.memory_space<hbm>>
    %dma_start3A_273 = tpu.memref_squeeze %dma_start3A_272 : memref<1x16x512xf32, #tpu.memory_space<hbm>> -> memref<16x512xf32, #tpu.memory_space<hbm>>
    tpu.enqueue_dma source(%arg14 : memref<16x512xf32, #tpu.memory_space<vmem>>) target(%dma_start3A_273 : memref<16x512xf32, #tpu.memory_space<hbm>>) target_semaphore(%arg42 : memref<!tpu.dma_semaphore, #tpu.memory_space<semaphore_mem>>)
    %dma_wait3A_274 = arith.constant 144 : i32
    %dma_wait3A_275 = tpu.memref_slice %arg5[%dma_wait3A_274] : memref<256xi32, #tpu.memory_space<vmem>> -> memref<16xi32, #tpu.memory_space<vmem>>
    %dma_wait3A_276 = arith.constant 0 : i32
    %dma_wait3A_277 = arith.constant 0 : i32
    %dma_wait3A_278 = tpu.memref_slice %arg3[%dma_wait3A_276, %dma_wait3A_277] : memref<50257x512xf32, #tpu.memory_space<hbm>> -> memref<50257x512xf32, #tpu.memory_space<hbm>>
    tpu.wait_indirect_dma semaphore(%arg29 : memref<!tpu.dma_semaphore, #tpu.memory_space<semaphore_mem>>) src(%dma_wait3A_278 : memref<50257x512xf32, #tpu.memory_space<hbm>>) dst(%arg15 : memref<16x512xf32, #tpu.memory_space<vmem>>)
    %add3A_279 = arith.constant 144 : i32
    %add3A_280 = arith.addi %mul3A_32, %add3A_279 : i32
    %dma_start3A_281 = arith.constant 0 : i32
    %dma_start3A_282 = tpu.memref_slice %arg4[%select_n3A, %add3A_280, %dma_start3A_281] : memref<4x2048x512xf32, #tpu.memory_space<hbm>> -> memref<1x16x512xf32, #tpu.memory_space<hbm>>
    %dma_start3A_283 = tpu.memref_squeeze %dma_start3A_282 : memref<1x16x512xf32, #tpu.memory_space<hbm>> -> memref<16x512xf32, #tpu.memory_space<hbm>>
    %dma_start3A_284 = arith.constant 0 : i32
    %dma_start3A_285 = tpu.memref_slice %arg4[%select_n3A, %add3A_280, %dma_start3A_284] : memref<4x2048x512xf32, #tpu.memory_space<hbm>> -> memref<1x16x512xf32, #tpu.memory_space<hbm>>
    %dma_start3A_286 = tpu.memref_squeeze %dma_start3A_285 : memref<1x16x512xf32, #tpu.memory_space<hbm>> -> memref<16x512xf32, #tpu.memory_space<hbm>>
    tpu.enqueue_dma source(%arg15 : memref<16x512xf32, #tpu.memory_space<vmem>>) target(%dma_start3A_286 : memref<16x512xf32, #tpu.memory_space<hbm>>) target_semaphore(%arg43 : memref<!tpu.dma_semaphore, #tpu.memory_space<semaphore_mem>>)
    %dma_wait3A_287 = arith.constant 160 : i32
    %dma_wait3A_288 = tpu.memref_slice %arg5[%dma_wait3A_287] : memref<256xi32, #tpu.memory_space<vmem>> -> memref<16xi32, #tpu.memory_space<vmem>>
    %dma_wait3A_289 = arith.constant 0 : i32
    %dma_wait3A_290 = arith.constant 0 : i32
    %dma_wait3A_291 = tpu.memref_slice %arg3[%dma_wait3A_289, %dma_wait3A_290] : memref<50257x512xf32, #tpu.memory_space<hbm>> -> memref<50257x512xf32, #tpu.memory_space<hbm>>
    tpu.wait_indirect_dma semaphore(%arg30 : memref<!tpu.dma_semaphore, #tpu.memory_space<semaphore_mem>>) src(%dma_wait3A_291 : memref<50257x512xf32, #tpu.memory_space<hbm>>) dst(%arg16 : memref<16x512xf32, #tpu.memory_space<vmem>>)
    %add3A_292 = arith.constant 160 : i32
    %add3A_293 = arith.addi %mul3A_32, %add3A_292 : i32
    %dma_start3A_294 = arith.constant 0 : i32
    %dma_start3A_295 = tpu.memref_slice %arg4[%select_n3A, %add3A_293, %dma_start3A_294] : memref<4x2048x512xf32, #tpu.memory_space<hbm>> -> memref<1x16x512xf32, #tpu.memory_space<hbm>>
    %dma_start3A_296 = tpu.memref_squeeze %dma_start3A_295 : memref<1x16x512xf32, #tpu.memory_space<hbm>> -> memref<16x512xf32, #tpu.memory_space<hbm>>
    %dma_start3A_297 = arith.constant 0 : i32
    %dma_start3A_298 = tpu.memref_slice %arg4[%select_n3A, %add3A_293, %dma_start3A_297] : memref<4x2048x512xf32, #tpu.memory_space<hbm>> -> memref<1x16x512xf32, #tpu.memory_space<hbm>>
    %dma_start3A_299 = tpu.memref_squeeze %dma_start3A_298 : memref<1x16x512xf32, #tpu.memory_space<hbm>> -> memref<16x512xf32, #tpu.memory_space<hbm>>
    tpu.enqueue_dma source(%arg16 : memref<16x512xf32, #tpu.memory_space<vmem>>) target(%dma_start3A_299 : memref<16x512xf32, #tpu.memory_space<hbm>>) target_semaphore(%arg44 : memref<!tpu.dma_semaphore, #tpu.memory_space<semaphore_mem>>)
    %dma_wait3A_300 = arith.constant 176 : i32
    %dma_wait3A_301 = tpu.memref_slice %arg5[%dma_wait3A_300] : memref<256xi32, #tpu.memory_space<vmem>> -> memref<16xi32, #tpu.memory_space<vmem>>
    %dma_wait3A_302 = arith.constant 0 : i32
    %dma_wait3A_303 = arith.constant 0 : i32
    %dma_wait3A_304 = tpu.memref_slice %arg3[%dma_wait3A_302, %dma_wait3A_303] : memref<50257x512xf32, #tpu.memory_space<hbm>> -> memref<50257x512xf32, #tpu.memory_space<hbm>>
    tpu.wait_indirect_dma semaphore(%arg31 : memref<!tpu.dma_semaphore, #tpu.memory_space<semaphore_mem>>) src(%dma_wait3A_304 : memref<50257x512xf32, #tpu.memory_space<hbm>>) dst(%arg17 : memref<16x512xf32, #tpu.memory_space<vmem>>)
    %add3A_305 = arith.constant 176 : i32
    %add3A_306 = arith.addi %mul3A_32, %add3A_305 : i32
    %dma_start3A_307 = arith.constant 0 : i32
    %dma_start3A_308 = tpu.memref_slice %arg4[%select_n3A, %add3A_306, %dma_start3A_307] : memref<4x2048x512xf32, #tpu.memory_space<hbm>> -> memref<1x16x512xf32, #tpu.memory_space<hbm>>
    %dma_start3A_309 = tpu.memref_squeeze %dma_start3A_308 : memref<1x16x512xf32, #tpu.memory_space<hbm>> -> memref<16x512xf32, #tpu.memory_space<hbm>>
    %dma_start3A_310 = arith.constant 0 : i32
    %dma_start3A_311 = tpu.memref_slice %arg4[%select_n3A, %add3A_306, %dma_start3A_310] : memref<4x2048x512xf32, #tpu.memory_space<hbm>> -> memref<1x16x512xf32, #tpu.memory_space<hbm>>
    %dma_start3A_312 = tpu.memref_squeeze %dma_start3A_311 : memref<1x16x512xf32, #tpu.memory_space<hbm>> -> memref<16x512xf32, #tpu.memory_space<hbm>>
    tpu.enqueue_dma source(%arg17 : memref<16x512xf32, #tpu.memory_space<vmem>>) target(%dma_start3A_312 : memref<16x512xf32, #tpu.memory_space<hbm>>) target_semaphore(%arg45 : memref<!tpu.dma_semaphore, #tpu.memory_space<semaphore_mem>>)
    %dma_wait3A_313 = arith.constant 192 : i32
    %dma_wait3A_314 = tpu.memref_slice %arg5[%dma_wait3A_313] : memref<256xi32, #tpu.memory_space<vmem>> -> memref<16xi32, #tpu.memory_space<vmem>>
    %dma_wait3A_315 = arith.constant 0 : i32
    %dma_wait3A_316 = arith.constant 0 : i32
    %dma_wait3A_317 = tpu.memref_slice %arg3[%dma_wait3A_315, %dma_wait3A_316] : memref<50257x512xf32, #tpu.memory_space<hbm>> -> memref<50257x512xf32, #tpu.memory_space<hbm>>
    tpu.wait_indirect_dma semaphore(%arg32 : memref<!tpu.dma_semaphore, #tpu.memory_space<semaphore_mem>>) src(%dma_wait3A_317 : memref<50257x512xf32, #tpu.memory_space<hbm>>) dst(%arg18 : memref<16x512xf32, #tpu.memory_space<vmem>>)
    %add3A_318 = arith.constant 192 : i32
    %add3A_319 = arith.addi %mul3A_32, %add3A_318 : i32
    %dma_start3A_320 = arith.constant 0 : i32
    %dma_start3A_321 = tpu.memref_slice %arg4[%select_n3A, %add3A_319, %dma_start3A_320] : memref<4x2048x512xf32, #tpu.memory_space<hbm>> -> memref<1x16x512xf32, #tpu.memory_space<hbm>>
    %dma_start3A_322 = tpu.memref_squeeze %dma_start3A_321 : memref<1x16x512xf32, #tpu.memory_space<hbm>> -> memref<16x512xf32, #tpu.memory_space<hbm>>
    %dma_start3A_323 = arith.constant 0 : i32
    %dma_start3A_324 = tpu.memref_slice %arg4[%select_n3A, %add3A_319, %dma_start3A_323] : memref<4x2048x512xf32, #tpu.memory_space<hbm>> -> memref<1x16x512xf32, #tpu.memory_space<hbm>>
    %dma_start3A_325 = tpu.memref_squeeze %dma_start3A_324 : memref<1x16x512xf32, #tpu.memory_space<hbm>> -> memref<16x512xf32, #tpu.memory_space<hbm>>
    tpu.enqueue_dma source(%arg18 : memref<16x512xf32, #tpu.memory_space<vmem>>) target(%dma_start3A_325 : memref<16x512xf32, #tpu.memory_space<hbm>>) target_semaphore(%arg46 : memref<!tpu.dma_semaphore, #tpu.memory_space<semaphore_mem>>)
    %dma_wait3A_326 = arith.constant 208 : i32
    %dma_wait3A_327 = tpu.memref_slice %arg5[%dma_wait3A_326] : memref<256xi32, #tpu.memory_space<vmem>> -> memref<16xi32, #tpu.memory_space<vmem>>
    %dma_wait3A_328 = arith.constant 0 : i32
    %dma_wait3A_329 = arith.constant 0 : i32
    %dma_wait3A_330 = tpu.memref_slice %arg3[%dma_wait3A_328, %dma_wait3A_329] : memref<50257x512xf32, #tpu.memory_space<hbm>> -> memref<50257x512xf32, #tpu.memory_space<hbm>>
    tpu.wait_indirect_dma semaphore(%arg33 : memref<!tpu.dma_semaphore, #tpu.memory_space<semaphore_mem>>) src(%dma_wait3A_330 : memref<50257x512xf32, #tpu.memory_space<hbm>>) dst(%arg19 : memref<16x512xf32, #tpu.memory_space<vmem>>)
    %add3A_331 = arith.constant 208 : i32
    %add3A_332 = arith.addi %mul3A_32, %add3A_331 : i32
    %dma_start3A_333 = arith.constant 0 : i32
    %dma_start3A_334 = tpu.memref_slice %arg4[%select_n3A, %add3A_332, %dma_start3A_333] : memref<4x2048x512xf32, #tpu.memory_space<hbm>> -> memref<1x16x512xf32, #tpu.memory_space<hbm>>
    %dma_start3A_335 = tpu.memref_squeeze %dma_start3A_334 : memref<1x16x512xf32, #tpu.memory_space<hbm>> -> memref<16x512xf32, #tpu.memory_space<hbm>>
    %dma_start3A_336 = arith.constant 0 : i32
    %dma_start3A_337 = tpu.memref_slice %arg4[%select_n3A, %add3A_332, %dma_start3A_336] : memref<4x2048x512xf32, #tpu.memory_space<hbm>> -> memref<1x16x512xf32, #tpu.memory_space<hbm>>
    %dma_start3A_338 = tpu.memref_squeeze %dma_start3A_337 : memref<1x16x512xf32, #tpu.memory_space<hbm>> -> memref<16x512xf32, #tpu.memory_space<hbm>>
    tpu.enqueue_dma source(%arg19 : memref<16x512xf32, #tpu.memory_space<vmem>>) target(%dma_start3A_338 : memref<16x512xf32, #tpu.memory_space<hbm>>) target_semaphore(%arg47 : memref<!tpu.dma_semaphore, #tpu.memory_space<semaphore_mem>>)
    %dma_wait3A_339 = arith.constant 224 : i32
    %dma_wait3A_340 = tpu.memref_slice %arg5[%dma_wait3A_339] : memref<256xi32, #tpu.memory_space<vmem>> -> memref<16xi32, #tpu.memory_space<vmem>>
    %dma_wait3A_341 = arith.constant 0 : i32
    %dma_wait3A_342 = arith.constant 0 : i32
    %dma_wait3A_343 = tpu.memref_slice %arg3[%dma_wait3A_341, %dma_wait3A_342] : memref<50257x512xf32, #tpu.memory_space<hbm>> -> memref<50257x512xf32, #tpu.memory_space<hbm>>
    tpu.wait_indirect_dma semaphore(%arg20 : memref<!tpu.dma_semaphore, #tpu.memory_space<semaphore_mem>>) src(%dma_wait3A_343 : memref<50257x512xf32, #tpu.memory_space<hbm>>) dst(%arg6 : memref<16x512xf32, #tpu.memory_space<vmem>>)
    %add3A_344 = arith.constant 224 : i32
    %add3A_345 = arith.addi %mul3A_32, %add3A_344 : i32
    %dma_start3A_346 = arith.constant 0 : i32
    %dma_start3A_347 = tpu.memref_slice %arg4[%select_n3A, %add3A_345, %dma_start3A_346] : memref<4x2048x512xf32, #tpu.memory_space<hbm>> -> memref<1x16x512xf32, #tpu.memory_space<hbm>>
    %dma_start3A_348 = tpu.memref_squeeze %dma_start3A_347 : memref<1x16x512xf32, #tpu.memory_space<hbm>> -> memref<16x512xf32, #tpu.memory_space<hbm>>
    %dma_start3A_349 = arith.constant 0 : i32
    %dma_start3A_350 = tpu.memref_slice %arg4[%select_n3A, %add3A_345, %dma_start3A_349] : memref<4x2048x512xf32, #tpu.memory_space<hbm>> -> memref<1x16x512xf32, #tpu.memory_space<hbm>>
    %dma_start3A_351 = tpu.memref_squeeze %dma_start3A_350 : memref<1x16x512xf32, #tpu.memory_space<hbm>> -> memref<16x512xf32, #tpu.memory_space<hbm>>
    tpu.enqueue_dma source(%arg6 : memref<16x512xf32, #tpu.memory_space<vmem>>) target(%dma_start3A_351 : memref<16x512xf32, #tpu.memory_space<hbm>>) target_semaphore(%arg34 : memref<!tpu.dma_semaphore, #tpu.memory_space<semaphore_mem>>)
    %dma_wait3A_352 = arith.constant 240 : i32
    %dma_wait3A_353 = tpu.memref_slice %arg5[%dma_wait3A_352] : memref<256xi32, #tpu.memory_space<vmem>> -> memref<16xi32, #tpu.memory_space<vmem>>
    %dma_wait3A_354 = arith.constant 0 : i32
    %dma_wait3A_355 = arith.constant 0 : i32
    %dma_wait3A_356 = tpu.memref_slice %arg3[%dma_wait3A_354, %dma_wait3A_355] : memref<50257x512xf32, #tpu.memory_space<hbm>> -> memref<50257x512xf32, #tpu.memory_space<hbm>>
    tpu.wait_indirect_dma semaphore(%arg21 : memref<!tpu.dma_semaphore, #tpu.memory_space<semaphore_mem>>) src(%dma_wait3A_356 : memref<50257x512xf32, #tpu.memory_space<hbm>>) dst(%arg7 : memref<16x512xf32, #tpu.memory_space<vmem>>)
    %add3A_357 = arith.constant 240 : i32
    %add3A_358 = arith.addi %mul3A_32, %add3A_357 : i32
    %dma_start3A_359 = arith.constant 0 : i32
    %dma_start3A_360 = tpu.memref_slice %arg4[%select_n3A, %add3A_358, %dma_start3A_359] : memref<4x2048x512xf32, #tpu.memory_space<hbm>> -> memref<1x16x512xf32, #tpu.memory_space<hbm>>
    %dma_start3A_361 = tpu.memref_squeeze %dma_start3A_360 : memref<1x16x512xf32, #tpu.memory_space<hbm>> -> memref<16x512xf32, #tpu.memory_space<hbm>>
    %dma_start3A_362 = arith.constant 0 : i32
    %dma_start3A_363 = tpu.memref_slice %arg4[%select_n3A, %add3A_358, %dma_start3A_362] : memref<4x2048x512xf32, #tpu.memory_space<hbm>> -> memref<1x16x512xf32, #tpu.memory_space<hbm>>
    %dma_start3A_364 = tpu.memref_squeeze %dma_start3A_363 : memref<1x16x512xf32, #tpu.memory_space<hbm>> -> memref<16x512xf32, #tpu.memory_space<hbm>>
    tpu.enqueue_dma source(%arg7 : memref<16x512xf32, #tpu.memory_space<vmem>>) target(%dma_start3A_364 : memref<16x512xf32, #tpu.memory_space<hbm>>) target_semaphore(%arg35 : memref<!tpu.dma_semaphore, #tpu.memory_space<semaphore_mem>>)
    %dma_wait3A_365 = arith.constant 0 : i32
    %dma_wait3A_366 = tpu.memref_slice %arg4[%select_n3A, %add3A_167, %dma_wait3A_365] : memref<4x2048x512xf32, #tpu.memory_space<hbm>> -> memref<1x16x512xf32, #tpu.memory_space<hbm>>
    %dma_wait3A_367 = tpu.memref_squeeze %dma_wait3A_366 : memref<1x16x512xf32, #tpu.memory_space<hbm>> -> memref<16x512xf32, #tpu.memory_space<hbm>>
    %dma_wait3A_368 = arith.constant 0 : i32
    %dma_wait3A_369 = tpu.memref_slice %arg4[%select_n3A, %add3A_167, %dma_wait3A_368] : memref<4x2048x512xf32, #tpu.memory_space<hbm>> -> memref<1x16x512xf32, #tpu.memory_space<hbm>>
    %dma_wait3A_370 = tpu.memref_squeeze %dma_wait3A_369 : memref<1x16x512xf32, #tpu.memory_space<hbm>> -> memref<16x512xf32, #tpu.memory_space<hbm>>
    tpu.wait_dma2 semaphore(%arg36 : memref<!tpu.dma_semaphore, #tpu.memory_space<semaphore_mem>>) src(%arg8 : memref<16x512xf32, #tpu.memory_space<vmem>>) dst(%dma_wait3A_370 : memref<16x512xf32, #tpu.memory_space<hbm>>)
    %dma_wait3A_371 = arith.constant 0 : i32
    %dma_wait3A_372 = tpu.memref_slice %arg4[%select_n3A, %add3A_191, %dma_wait3A_371] : memref<4x2048x512xf32, #tpu.memory_space<hbm>> -> memref<1x16x512xf32, #tpu.memory_space<hbm>>
    %dma_wait3A_373 = tpu.memref_squeeze %dma_wait3A_372 : memref<1x16x512xf32, #tpu.memory_space<hbm>> -> memref<16x512xf32, #tpu.memory_space<hbm>>
    %dma_wait3A_374 = arith.constant 0 : i32
    %dma_wait3A_375 = tpu.memref_slice %arg4[%select_n3A, %add3A_191, %dma_wait3A_374] : memref<4x2048x512xf32, #tpu.memory_space<hbm>> -> memref<1x16x512xf32, #tpu.memory_space<hbm>>
    %dma_wait3A_376 = tpu.memref_squeeze %dma_wait3A_375 : memref<1x16x512xf32, #tpu.memory_space<hbm>> -> memref<16x512xf32, #tpu.memory_space<hbm>>
    tpu.wait_dma2 semaphore(%arg37 : memref<!tpu.dma_semaphore, #tpu.memory_space<semaphore_mem>>) src(%arg9 : memref<16x512xf32, #tpu.memory_space<vmem>>) dst(%dma_wait3A_376 : memref<16x512xf32, #tpu.memory_space<hbm>>)
    %dma_wait3A_377 = arith.constant 0 : i32
    %dma_wait3A_378 = tpu.memref_slice %arg4[%select_n3A, %add3A_215, %dma_wait3A_377] : memref<4x2048x512xf32, #tpu.memory_space<hbm>> -> memref<1x16x512xf32, #tpu.memory_space<hbm>>
    %dma_wait3A_379 = tpu.memref_squeeze %dma_wait3A_378 : memref<1x16x512xf32, #tpu.memory_space<hbm>> -> memref<16x512xf32, #tpu.memory_space<hbm>>
    %dma_wait3A_380 = arith.constant 0 : i32
    %dma_wait3A_381 = tpu.memref_slice %arg4[%select_n3A, %add3A_215, %dma_wait3A_380] : memref<4x2048x512xf32, #tpu.memory_space<hbm>> -> memref<1x16x512xf32, #tpu.memory_space<hbm>>
    %dma_wait3A_382 = tpu.memref_squeeze %dma_wait3A_381 : memref<1x16x512xf32, #tpu.memory_space<hbm>> -> memref<16x512xf32, #tpu.memory_space<hbm>>
    tpu.wait_dma2 semaphore(%arg38 : memref<!tpu.dma_semaphore, #tpu.memory_space<semaphore_mem>>) src(%arg10 : memref<16x512xf32, #tpu.memory_space<vmem>>) dst(%dma_wait3A_382 : memref<16x512xf32, #tpu.memory_space<hbm>>)
    %dma_wait3A_383 = arith.constant 0 : i32
    %dma_wait3A_384 = tpu.memref_slice %arg4[%select_n3A, %add3A_228, %dma_wait3A_383] : memref<4x2048x512xf32, #tpu.memory_space<hbm>> -> memref<1x16x512xf32, #tpu.memory_space<hbm>>
    %dma_wait3A_385 = tpu.memref_squeeze %dma_wait3A_384 : memref<1x16x512xf32, #tpu.memory_space<hbm>> -> memref<16x512xf32, #tpu.memory_space<hbm>>
    %dma_wait3A_386 = arith.constant 0 : i32
    %dma_wait3A_387 = tpu.memref_slice %arg4[%select_n3A, %add3A_228, %dma_wait3A_386] : memref<4x2048x512xf32, #tpu.memory_space<hbm>> -> memref<1x16x512xf32, #tpu.memory_space<hbm>>
    %dma_wait3A_388 = tpu.memref_squeeze %dma_wait3A_387 : memref<1x16x512xf32, #tpu.memory_space<hbm>> -> memref<16x512xf32, #tpu.memory_space<hbm>>
    tpu.wait_dma2 semaphore(%arg39 : memref<!tpu.dma_semaphore, #tpu.memory_space<semaphore_mem>>) src(%arg11 : memref<16x512xf32, #tpu.memory_space<vmem>>) dst(%dma_wait3A_388 : memref<16x512xf32, #tpu.memory_space<hbm>>)
    %dma_wait3A_389 = arith.constant 0 : i32
    %dma_wait3A_390 = tpu.memref_slice %arg4[%select_n3A, %add3A_241, %dma_wait3A_389] : memref<4x2048x512xf32, #tpu.memory_space<hbm>> -> memref<1x16x512xf32, #tpu.memory_space<hbm>>
    %dma_wait3A_391 = tpu.memref_squeeze %dma_wait3A_390 : memref<1x16x512xf32, #tpu.memory_space<hbm>> -> memref<16x512xf32, #tpu.memory_space<hbm>>
    %dma_wait3A_392 = arith.constant 0 : i32
    %dma_wait3A_393 = tpu.memref_slice %arg4[%select_n3A, %add3A_241, %dma_wait3A_392] : memref<4x2048x512xf32, #tpu.memory_space<hbm>> -> memref<1x16x512xf32, #tpu.memory_space<hbm>>
    %dma_wait3A_394 = tpu.memref_squeeze %dma_wait3A_393 : memref<1x16x512xf32, #tpu.memory_space<hbm>> -> memref<16x512xf32, #tpu.memory_space<hbm>>
    tpu.wait_dma2 semaphore(%arg40 : memref<!tpu.dma_semaphore, #tpu.memory_space<semaphore_mem>>) src(%arg12 : memref<16x512xf32, #tpu.memory_space<vmem>>) dst(%dma_wait3A_394 : memref<16x512xf32, #tpu.memory_space<hbm>>)
    %dma_wait3A_395 = arith.constant 0 : i32
    %dma_wait3A_396 = tpu.memref_slice %arg4[%select_n3A, %add3A_254, %dma_wait3A_395] : memref<4x2048x512xf32, #tpu.memory_space<hbm>> -> memref<1x16x512xf32, #tpu.memory_space<hbm>>
    %dma_wait3A_397 = tpu.memref_squeeze %dma_wait3A_396 : memref<1x16x512xf32, #tpu.memory_space<hbm>> -> memref<16x512xf32, #tpu.memory_space<hbm>>
    %dma_wait3A_398 = arith.constant 0 : i32
    %dma_wait3A_399 = tpu.memref_slice %arg4[%select_n3A, %add3A_254, %dma_wait3A_398] : memref<4x2048x512xf32, #tpu.memory_space<hbm>> -> memref<1x16x512xf32, #tpu.memory_space<hbm>>
    %dma_wait3A_400 = tpu.memref_squeeze %dma_wait3A_399 : memref<1x16x512xf32, #tpu.memory_space<hbm>> -> memref<16x512xf32, #tpu.memory_space<hbm>>
    tpu.wait_dma2 semaphore(%arg41 : memref<!tpu.dma_semaphore, #tpu.memory_space<semaphore_mem>>) src(%arg13 : memref<16x512xf32, #tpu.memory_space<vmem>>) dst(%dma_wait3A_400 : memref<16x512xf32, #tpu.memory_space<hbm>>)
    %dma_wait3A_401 = arith.constant 0 : i32
    %dma_wait3A_402 = tpu.memref_slice %arg4[%select_n3A, %add3A_267, %dma_wait3A_401] : memref<4x2048x512xf32, #tpu.memory_space<hbm>> -> memref<1x16x512xf32, #tpu.memory_space<hbm>>
    %dma_wait3A_403 = tpu.memref_squeeze %dma_wait3A_402 : memref<1x16x512xf32, #tpu.memory_space<hbm>> -> memref<16x512xf32, #tpu.memory_space<hbm>>
    %dma_wait3A_404 = arith.constant 0 : i32
    %dma_wait3A_405 = tpu.memref_slice %arg4[%select_n3A, %add3A_267, %dma_wait3A_404] : memref<4x2048x512xf32, #tpu.memory_space<hbm>> -> memref<1x16x512xf32, #tpu.memory_space<hbm>>
    %dma_wait3A_406 = tpu.memref_squeeze %dma_wait3A_405 : memref<1x16x512xf32, #tpu.memory_space<hbm>> -> memref<16x512xf32, #tpu.memory_space<hbm>>
    tpu.wait_dma2 semaphore(%arg42 : memref<!tpu.dma_semaphore, #tpu.memory_space<semaphore_mem>>) src(%arg14 : memref<16x512xf32, #tpu.memory_space<vmem>>) dst(%dma_wait3A_406 : memref<16x512xf32, #tpu.memory_space<hbm>>)
    %dma_wait3A_407 = arith.constant 0 : i32
    %dma_wait3A_408 = tpu.memref_slice %arg4[%select_n3A, %add3A_280, %dma_wait3A_407] : memref<4x2048x512xf32, #tpu.memory_space<hbm>> -> memref<1x16x512xf32, #tpu.memory_space<hbm>>
    %dma_wait3A_409 = tpu.memref_squeeze %dma_wait3A_408 : memref<1x16x512xf32, #tpu.memory_space<hbm>> -> memref<16x512xf32, #tpu.memory_space<hbm>>
    %dma_wait3A_410 = arith.constant 0 : i32
    %dma_wait3A_411 = tpu.memref_slice %arg4[%select_n3A, %add3A_280, %dma_wait3A_410] : memref<4x2048x512xf32, #tpu.memory_space<hbm>> -> memref<1x16x512xf32, #tpu.memory_space<hbm>>
    %dma_wait3A_412 = tpu.memref_squeeze %dma_wait3A_411 : memref<1x16x512xf32, #tpu.memory_space<hbm>> -> memref<16x512xf32, #tpu.memory_space<hbm>>
    tpu.wait_dma2 semaphore(%arg43 : memref<!tpu.dma_semaphore, #tpu.memory_space<semaphore_mem>>) src(%arg15 : memref<16x512xf32, #tpu.memory_space<vmem>>) dst(%dma_wait3A_412 : memref<16x512xf32, #tpu.memory_space<hbm>>)
    %dma_wait3A_413 = arith.constant 0 : i32
    %dma_wait3A_414 = tpu.memref_slice %arg4[%select_n3A, %add3A_293, %dma_wait3A_413] : memref<4x2048x512xf32, #tpu.memory_space<hbm>> -> memref<1x16x512xf32, #tpu.memory_space<hbm>>
    %dma_wait3A_415 = tpu.memref_squeeze %dma_wait3A_414 : memref<1x16x512xf32, #tpu.memory_space<hbm>> -> memref<16x512xf32, #tpu.memory_space<hbm>>
    %dma_wait3A_416 = arith.constant 0 : i32
    %dma_wait3A_417 = tpu.memref_slice %arg4[%select_n3A, %add3A_293, %dma_wait3A_416] : memref<4x2048x512xf32, #tpu.memory_space<hbm>> -> memref<1x16x512xf32, #tpu.memory_space<hbm>>
    %dma_wait3A_418 = tpu.memref_squeeze %dma_wait3A_417 : memref<1x16x512xf32, #tpu.memory_space<hbm>> -> memref<16x512xf32, #tpu.memory_space<hbm>>
    tpu.wait_dma2 semaphore(%arg44 : memref<!tpu.dma_semaphore, #tpu.memory_space<semaphore_mem>>) src(%arg16 : memref<16x512xf32, #tpu.memory_space<vmem>>) dst(%dma_wait3A_418 : memref<16x512xf32, #tpu.memory_space<hbm>>)
    %dma_wait3A_419 = arith.constant 0 : i32
    %dma_wait3A_420 = tpu.memref_slice %arg4[%select_n3A, %add3A_306, %dma_wait3A_419] : memref<4x2048x512xf32, #tpu.memory_space<hbm>> -> memref<1x16x512xf32, #tpu.memory_space<hbm>>
    %dma_wait3A_421 = tpu.memref_squeeze %dma_wait3A_420 : memref<1x16x512xf32, #tpu.memory_space<hbm>> -> memref<16x512xf32, #tpu.memory_space<hbm>>
    %dma_wait3A_422 = arith.constant 0 : i32
    %dma_wait3A_423 = tpu.memref_slice %arg4[%select_n3A, %add3A_306, %dma_wait3A_422] : memref<4x2048x512xf32, #tpu.memory_space<hbm>> -> memref<1x16x512xf32, #tpu.memory_space<hbm>>
    %dma_wait3A_424 = tpu.memref_squeeze %dma_wait3A_423 : memref<1x16x512xf32, #tpu.memory_space<hbm>> -> memref<16x512xf32, #tpu.memory_space<hbm>>
    tpu.wait_dma2 semaphore(%arg45 : memref<!tpu.dma_semaphore, #tpu.memory_space<semaphore_mem>>) src(%arg17 : memref<16x512xf32, #tpu.memory_space<vmem>>) dst(%dma_wait3A_424 : memref<16x512xf32, #tpu.memory_space<hbm>>)
    %dma_wait3A_425 = arith.constant 0 : i32
    %dma_wait3A_426 = tpu.memref_slice %arg4[%select_n3A, %add3A_319, %dma_wait3A_425] : memref<4x2048x512xf32, #tpu.memory_space<hbm>> -> memref<1x16x512xf32, #tpu.memory_space<hbm>>
    %dma_wait3A_427 = tpu.memref_squeeze %dma_wait3A_426 : memref<1x16x512xf32, #tpu.memory_space<hbm>> -> memref<16x512xf32, #tpu.memory_space<hbm>>
    %dma_wait3A_428 = arith.constant 0 : i32
    %dma_wait3A_429 = tpu.memref_slice %arg4[%select_n3A, %add3A_319, %dma_wait3A_428] : memref<4x2048x512xf32, #tpu.memory_space<hbm>> -> memref<1x16x512xf32, #tpu.memory_space<hbm>>
    %dma_wait3A_430 = tpu.memref_squeeze %dma_wait3A_429 : memref<1x16x512xf32, #tpu.memory_space<hbm>> -> memref<16x512xf32, #tpu.memory_space<hbm>>
    tpu.wait_dma2 semaphore(%arg46 : memref<!tpu.dma_semaphore, #tpu.memory_space<semaphore_mem>>) src(%arg18 : memref<16x512xf32, #tpu.memory_space<vmem>>) dst(%dma_wait3A_430 : memref<16x512xf32, #tpu.memory_space<hbm>>)
    %dma_wait3A_431 = arith.constant 0 : i32
    %dma_wait3A_432 = tpu.memref_slice %arg4[%select_n3A, %add3A_332, %dma_wait3A_431] : memref<4x2048x512xf32, #tpu.memory_space<hbm>> -> memref<1x16x512xf32, #tpu.memory_space<hbm>>
    %dma_wait3A_433 = tpu.memref_squeeze %dma_wait3A_432 : memref<1x16x512xf32, #tpu.memory_space<hbm>> -> memref<16x512xf32, #tpu.memory_space<hbm>>
    %dma_wait3A_434 = arith.constant 0 : i32
    %dma_wait3A_435 = tpu.memref_slice %arg4[%select_n3A, %add3A_332, %dma_wait3A_434] : memref<4x2048x512xf32, #tpu.memory_space<hbm>> -> memref<1x16x512xf32, #tpu.memory_space<hbm>>
    %dma_wait3A_436 = tpu.memref_squeeze %dma_wait3A_435 : memref<1x16x512xf32, #tpu.memory_space<hbm>> -> memref<16x512xf32, #tpu.memory_space<hbm>>
    tpu.wait_dma2 semaphore(%arg47 : memref<!tpu.dma_semaphore, #tpu.memory_space<semaphore_mem>>) src(%arg19 : memref<16x512xf32, #tpu.memory_space<vmem>>) dst(%dma_wait3A_436 : memref<16x512xf32, #tpu.memory_space<hbm>>)
    %dma_wait3A_437 = arith.constant 0 : i32
    %dma_wait3A_438 = tpu.memref_slice %arg4[%select_n3A, %add3A_345, %dma_wait3A_437] : memref<4x2048x512xf32, #tpu.memory_space<hbm>> -> memref<1x16x512xf32, #tpu.memory_space<hbm>>
    %dma_wait3A_439 = tpu.memref_squeeze %dma_wait3A_438 : memref<1x16x512xf32, #tpu.memory_space<hbm>> -> memref<16x512xf32, #tpu.memory_space<hbm>>
    %dma_wait3A_440 = arith.constant 0 : i32
    %dma_wait3A_441 = tpu.memref_slice %arg4[%select_n3A, %add3A_345, %dma_wait3A_440] : memref<4x2048x512xf32, #tpu.memory_space<hbm>> -> memref<1x16x512xf32, #tpu.memory_space<hbm>>
    %dma_wait3A_442 = tpu.memref_squeeze %dma_wait3A_441 : memref<1x16x512xf32, #tpu.memory_space<hbm>> -> memref<16x512xf32, #tpu.memory_space<hbm>>
    tpu.wait_dma2 semaphore(%arg34 : memref<!tpu.dma_semaphore, #tpu.memory_space<semaphore_mem>>) src(%arg6 : memref<16x512xf32, #tpu.memory_space<vmem>>) dst(%dma_wait3A_442 : memref<16x512xf32, #tpu.memory_space<hbm>>)
    %dma_wait3A_443 = arith.constant 0 : i32
    %dma_wait3A_444 = tpu.memref_slice %arg4[%select_n3A, %add3A_358, %dma_wait3A_443] : memref<4x2048x512xf32, #tpu.memory_space<hbm>> -> memref<1x16x512xf32, #tpu.memory_space<hbm>>
    %dma_wait3A_445 = tpu.memref_squeeze %dma_wait3A_444 : memref<1x16x512xf32, #tpu.memory_space<hbm>> -> memref<16x512xf32, #tpu.memory_space<hbm>>
    %dma_wait3A_446 = arith.constant 0 : i32
    %dma_wait3A_447 = tpu.memref_slice %arg4[%select_n3A, %add3A_358, %dma_wait3A_446] : memref<4x2048x512xf32, #tpu.memory_space<hbm>> -> memref<1x16x512xf32, #tpu.memory_space<hbm>>
    %dma_wait3A_448 = tpu.memref_squeeze %dma_wait3A_447 : memref<1x16x512xf32, #tpu.memory_space<hbm>> -> memref<16x512xf32, #tpu.memory_space<hbm>>
    tpu.wait_dma2 semaphore(%arg35 : memref<!tpu.dma_semaphore, #tpu.memory_space<semaphore_mem>>) src(%arg7 : memref<16x512xf32, #tpu.memory_space<vmem>>) dst(%dma_wait3A_448 : memref<16x512xf32, #tpu.memory_space<hbm>>)
    return
  }
}

</mosaic_0001>

<sc_bundles>
// kernel: kernel.3.cloned.1.call-start
scs
__scs_entry_jumppad:
0x0: {  	(pc) =	sbr.rel $0x88, $3  }
0x1: {  	(tag) =	ssettag $0x0;
	lr =	simm.s32 $0x1  }
0x2: {  	[smem:$0x3F9F] =	sst lr;
	_ =	strace $0xD0000000  }
0x3: {  	_ = 	snop  }
0x4: {  	_ = 	snop  }
0x5: {  	_ = 	snop  }
0x6: {  	_ = 	snop  }
0x7: {  	_ = 	snop  }
__scs_overlays_trampoline_lowered:
0x8: {  	[smem:$0x3FAE] =	sst s0  }
0x9: {  	[smem:$0x3FAF] =	sst s1  }
0xa: {  	[smem:$0x3FB0] =	sst s2  }
0xb: {  	[smem:$0x3FB1] =	sst s3  }
0xc: {  	[smem:$0x3FB2] =	sst s4  }
0xd: {  	[smem:$0x3FB3] =	sst s5  }
0xe: {  	[smem:$0x3FB4] =	sst s6  }
0xf: {  	[smem:$0x3FB5] =	sst s7  }
0x10: {  	[smem:$0x3FB6] =	sst s8  }
0x11: {  	[smem:$0x3FB7] =	sst s9;
	s0 =	simm.s32 @!p0 $0x0  }
0x12: {  	s1 =	sld [smem:$0x3F9D];
	s0 =	simm.s32 @p0 $0x1  }
0x13: {  	[smem:$0x3FB8] =	sst s0;
	s0 =	simm.s32 @!p1 $0x0  }
0x14: {  	s2 =	sld [smem:$0x3F9C];
	s0 =	simm.s32 @p1 $0x1  }
0x15: {  	[smem:$0x3FB9] =	sst s0;
	s0 =	simm.s32 @!p2 $0x0  }
0x16: {  	s3 =	sld [smem:$0x3FDB];
	s0 =	simm.s32 @p2 $0x1  }
0x17: {  	s4 =	simm.s32 $0x1BF5;
	[smem:$0x3FBB] =	sst s0  }
0x18: {  	s0 =	sld [smem:$0x3F9E];
	_ =	swait.ge [sflag:s4], $0x0  }
0x19: {  	s7 =	sld [smem:$0x3F9F]  }
0x1a: {  	s8 =	sadd.s32 $0xFFFFE003, lr  }
0x1b: {  	s9 =	sadd.s32 $0xFFFFFEF7, lr;
	s5 =	simm.s32 $0xFFFFFFFF;
	p2 =	slt.u32 s8, $0xFFFFF086  }
0x1c: {  	p1 =	slt.u32 s9, $0xF7A;
	s5 =	simm.s32 @!p2 $0x0  }
0x1d: {  	s5 =	simm.s32 @p1 $0x1;
	p0 =	seq.s32 s7, s2  }
0x1e: {  	s7 =	smul.u32 @!p0 $0xF7A, s2;
	p2 =	seq.s32 @!p0 s5, $0x0  }
0x1f: {  	s9 =	smul.u32 $0xF7A, s1;
	s8 =	simm.s32 @!p0 $0x1BF5;
	p2 =	por !p2, p0  }
0x20: {  	[sflag:s8] =	ssyncset.s32 @!p0 $0xFFFFF086;
	s6 =	sadd.s32 @!p0 s3, s7;
	s7 =	simm.s32 @!p0 $0x108  }
0x21: {  	s3 =	sadd.s32 s3, s9;
	s6 =	sadd.s32 @!p0 $0x88, s6;
	s7 =	simm.s32 @p2 $0x1082  }
0x22: {  	[simem:s7], [sflag:s8] =	dma.local @!p0 [hbm:s6], $0xF7A  }
0x23: {  	s9 =	sor.u32 $0xD0000000, s2;
	s6 =	simm.s32 $0x108;
	_ =	swait.ge @!p0 [sflag:s8], $0x0  }
0x24: {  	s3 =	sadd.s32 $0x88, s3;
	s6 =	simm.s32 @!p1 $0x1082;
	[sflag:s4] =	ssyncset.s32 $0xFFFFF086  }
0x25: {  	[simem:s6], [sflag:s4] =	dma.local [hbm:s3], $0xF7A  }
0x26: {  	[smem:$0x3F9F] =	sst s1;
	(tag) =	ssettag s2;
	_ =	strace s9  }
0x27: {  	s1 =	sld [smem:$0x3FAF]  }
0x28: {  	s2 =	sld [smem:$0x3FB0]  }
0x29: {  	s4 =	sld [smem:$0x3FB2]  }
0x2a: {  	p0 =	seq.s32 s5, $0x0;
	s5 =	sld [smem:$0x3FB3]  }
0x2b: {  	s6 =	sld [smem:$0x3FB4]  }
0x2c: {  	s7 =	sld [smem:$0x3FB5]  }
0x2d: {  	s3 =	simm.s32 $0x108;
	s8 =	sld [smem:$0x3FB6]  }
0x2e: {  	s3 =	simm.s32 @!p0 $0x1082;
	s9 =	sld [smem:$0x3FB7]  }
0x2f: {  	lr =	sadd.s32 s0, s3;
	s0 =	sld [smem:$0x3FAE]  }
0x30: {  	s3 =	sld [smem:$0x3FB1]  }
0x31: {  	[smem:$0x3FBA] =	sst s10  }
0x32: {  	s10 =	sld [smem:$0x3FB8];
	_ =	sdelay $0x3  }
0x33: {  	p0 =	seq.s32 s10, $0x1;
	s10 =	sld [smem:$0x3FBA];
	_ =	sdelay $0x3  }
0x34: {  	[smem:$0x3FBA] =	sst s10  }
0x35: {  	s10 =	sld [smem:$0x3FB9];
	_ =	sdelay $0x3  }
0x36: {  	p1 =	seq.s32 s10, $0x1;
	s10 =	sld [smem:$0x3FBA];
	_ =	sdelay $0x3  }
0x37: {  	[smem:$0x3FBA] =	sst s10  }
0x38: {  	s10 =	sld [smem:$0x3FBB]  }
0x39: {  	_ = 	snop;
	(pc) =	sbr.ind lr, $3  }
0x3a: {  	_ = 	snop  }
0x3b: {  	_ = 	snop  }
0x3c: {  	p2 =	seq.s32 s10, $0x1;
	s10 =	sld [smem:$0x3FBA]  }
0x3d: {  	_ =	shalt  }
0x3e: {  	_ =	shalt  }
0x3f: {  	_ =	shalt  }
0x40: {  	_ =	shalt  }
0x41: {  	_ =	shalt  }
0x42: {  	_ =	shalt  }
0x43: {  	_ =	shalt  }
0x44: {  	_ =	shalt  }
0x45: {  	_ =	shalt  }
0x46: {  	_ =	shalt  }
0x47: {  	_ =	shalt  }
0x48: {  	_ =	shalt  }
0x49: {  	_ =	shalt  }
0x4a: {  	_ =	shalt  }
0x4b: {  	_ =	shalt  }
0x4c: {  	_ =	shalt  }
0x4d: {  	_ =	shalt  }
0x4e: {  	_ =	shalt  }
0x4f: {  	_ =	shalt  }
0x50: {  	_ =	shalt  }
0x51: {  	_ =	shalt  }
0x52: {  	_ =	shalt  }
0x53: {  	_ =	shalt  }
0x54: {  	_ =	shalt  }
0x55: {  	_ =	shalt  }
0x56: {  	_ =	shalt  }
0x57: {  	_ =	shalt  }
0x58: {  	_ =	shalt  }
0x59: {  	_ =	shalt  }
0x5a: {  	_ =	shalt  }
0x5b: {  	_ =	shalt  }
0x5c: {  	_ =	shalt  }
0x5d: {  	_ =	shalt  }
0x5e: {  	_ =	shalt  }
0x5f: {  	_ =	shalt  }
0x60: {  	_ =	shalt  }
0x61: {  	_ =	shalt  }
0x62: {  	_ =	shalt  }
0x63: {  	_ =	shalt  }
0x64: {  	_ =	shalt  }
0x65: {  	_ =	shalt  }
0x66: {  	_ =	shalt  }
0x67: {  	_ =	shalt  }
0x68: {  	_ =	shalt  }
0x69: {  	_ =	shalt  }
0x6a: {  	_ =	shalt  }
0x6b: {  	_ =	shalt  }
0x6c: {  	_ =	shalt  }
0x6d: {  	_ =	shalt  }
0x6e: {  	_ =	shalt  }
0x6f: {  	_ =	shalt  }
0x70: {  	_ =	shalt  }
0x71: {  	_ =	shalt  }
0x72: {  	_ =	shalt  }
0x73: {  	_ =	shalt  }
0x74: {  	_ =	shalt  }
0x75: {  	_ =	shalt  }
0x76: {  	_ =	shalt  }
0x77: {  	_ =	shalt  }
0x78: {  	_ =	shalt  }
0x79: {  	_ =	shalt  }
0x7a: {  	_ =	shalt  }
0x7b: {  	_ =	shalt  }
0x7c: {  	_ =	shalt  }
0x7d: {  	_ =	shalt  }
0x7e: {  	_ =	shalt  }
0x7f: {  	_ =	shalt  }
0x80: {  	_ =	shalt  }
0x81: {  	_ =	shalt  }
0x82: {  	_ =	shalt  }
0x83: {  	_ =	shalt  }
0x84: {  	_ =	shalt  }
0x85: {  	_ =	shalt  }
0x86: {  	_ =	shalt  }
0x87: {  	_ =	shalt  }
.Lfunc_end0:
.L_simem_size_0:
called_computation_lowered:
.L_overlay_start_0:
0x88: {  	s2 =	sld [smem:$0x3FD9]  }
0x89: {  	s3 =	sld [smem:$0x3FFE];
	_ =	sdelay $0x1  }
0x8a: {  	s1 =	srdreg.scid  }
0x8b: {  	s0 =	sand.u32 $0x1, s1  }
0x8c: {  	s18 =	sshll.u32 s0, $0xA;
	s2 =	sadd.s32 s3, s2  }
0x8d: {  	s2 =	sadd.s32 s2, s18  }
0x8e: {  	[smem:$0x3FC6] =	sst s2  }
0x8f: {  	_ = 	snop  }
0x90: {  	s2 =	sld [smem:$0x3FC9]  }
0x91: {  	s19 =	sld [smem:$0x3FC8]  }
0x92: {  	s4 =	sld [smem:$0x3FD0];
	(tm) =	ssettm $0x1  }
0x93: {  	s5 =	sld [smem:$0x3FFB];
	_ =	sdelay $0x3  }
0x94: {  	_ =	strace s5  }
0x95: {  	s5 =	sld [smem:$0x3FFC];
	_ =	sdelay $0x3  }
0x96: {  	_ =	strace s5  }
0x97: {  	s5 =	sld [smem:$0x3FFD];
	_ =	sdelay $0x3  }
0x98: {  	_ =	strace s5  }
0x99: {  	_ =	strace $0x8FFFFFFF  }
0x9a: {  	s20 =	sld [smem:$0x3FDB];
	_ =	sdelay $0x1  }
0x9b: {  	s6 =	simm.s32 $_scs_section_size  }
0x9c: {  	s7 =	simm.s32 $_size__tile_overlayer_lowered;
	s8 =	simm.s32 $_tile_overlayer_lowered  }
0x9d: {  	s23 =	simm.s32 $0x1BFF;
	s22 =	sshll.u32 s8, $0x1;
	s5 =	sadd.s32 s6, s20  }
0x9e: {  	s9 =	simm.s32 $0x0;
	s21 =	sshll.u32 s7, $0x1;
	s7 =	sadd.s32 s22, s5  }
0x9f: {  	[timem:s9], [sflag:s23] =	dma.local [hbm:s7], s21  }
0xa0: {  	_ =	swait.ge [sflag:s23], s21  }
0xa1: {  	s6 =	ssub.s32 $0x0, s21;
	[sflag:s23] =	ssyncset.done $0x0  }
0xa2: {  	[sflag:s23] =	ssyncadd.s32 s6;
	_ =	sdelay $0x1  }
0xa3: {  	s24 =	simm.s32 $0x1B8B  }
0xa4: {  	_ =	swait.ge [sflag:s24], $0x1  }
0xa5: {  	[sflag:s24] =	ssyncset.done $0x0  }
0xa6: {  	s25 =	simm.s32 $0x1B8E;
	[sflag:s24] =	ssyncadd.s32 $0xFFFFFFFF  }
0xa7: {  	s26 =	simm.s32 $execute0_lowered;
	[smem:$0x3FD2] =	sst s25  }
0xa8: {  	s6 =	sshll.u32 s26, $0x1;
	_ =	strace $0x80000046;
	[dreg:$0x1] =	wrdreg $0xFFFFFFFF  }
0xa9: {  	s28 =	simm.s32 $_size_execute0_lowered;
	s5 =	sadd.s32 s5, s6;
	[dreg:$0x0] =	wrdreg $0x0  }
0xaa: {  	s6 =	sshll.u32 s28, $0x1;
	[dreg:$0x2] =	wrdreg s5  }
0xab: {  	[dreg:$0x3] =	wrdreg s6  }
0xac: {  	[dreg:$0x4] =	wrdreg $0xC0  }
0xad: {  	_ =	task [dreg:s9], $0x5FFFF  }
0xae: {  	[dreg:$0x1] =	wrdreg $0xFFFFFFFF  }
0xaf: {  	[dreg:$0x0] =	wrdreg $0x60  }
0xb0: {  	[dreg:$0x2] =	wrdreg s2  }
0xb1: {  	[dreg:$0x3] =	wrdreg s19  }
0xb2: {  	[dreg:$0x4] =	wrdreg s4  }
0xb3: {  	[dreg:$0x5] =	wrdreg $0x9  }
0xb4: {  	_ =	task.clear_ibuf [dreg:s9], $0x6FFFF;
	_ =	strace $0x90000046  }
0xb5: {  	s29 =	simm.s32 $0x9;
	_ =	strace $0x80000048  }
0xb6: {  	_ =	swait.ge [sflag:s29], $0x1  }
0xb7: {  	[sflag:s29] =	ssyncadd.s32 $0xFFFFFFFF  }
0xb8: {  	_ =	strace $0x90000048  }
0xb9: {  	_ =	sfence  }
0xba: {  	s30 =	sld [smem:$0x0];
	_ =	sdelay $0x2  }
0xbb: {  	s31 =	sshll.u32 s1, $0xD;
	s1 =	sshrl.u32 s1, $0x2  }
0xbc: {  	s3 =	sand.u32 $0x4000, s31;
	s1 =	sadd.s32 s1, s30  }
0xbd: {  	s0 =	sor.u32 s3, s0;
	s1 =	sshll.u32 s1, $0x11  }
0xbe: {  	s0 =	sor.u32 s1, s0  }
0xbf: {  	s0 =	sadd.s32 $0x8F2B, s0  }
0xc0: {  	[sflag:s0] =	ssyncadd.remote.s32 $0x1  }
0xc1: {  	_ =	sfence.sel $0xFFFF  }
0xc2: {  	[dreg:$0x0] =	wrdreg $0xFFFFFFFF;
	(pc) =	sbr.abs _section_cstart, $3  }
0xc3: {  	[dreg:$0x1] =	wrdreg $0xFFFFFFFF  }
0xc4: {  	_ =	task.clear_ibuf [dreg:s9], $0x2FFFF;
	_ =	strace $0x9FFFFFFF  }
0xc5: {  	(tm) =	ssettm $0x7FFFFFFF  }
tec
execute0_lowered:
.L_overlay_start_1:
0x0: {  	(tag) =	ssettag $0x1  }
0x1: {  	s1 =	rddreg [dreg:$0x0]  }
0x2: {  	s2 =	rddreg [dreg:$0x1]  }
0x3: {  	s4 =	rddreg [dreg:$0x2];
	s6 =	stileid.u32;
	s3 =	simm.s32 $0x0  }
0x4: {  	s0 =	srdreg.scid;
	s12 =	simm.s32 $0x80;
	[smem:$0x7FF] =	sst s3  }
0x5: {  	s13 =	simm.s32 $0x4900;
	_ =	strace $0x80000047;
	[dreg:$0x15] =	wrdreg s12  }
0x6: {  	s14 =	simm.s32 $0x5100;
	s15 =	simm.s32 $0x5900;
	[dreg:$0x16] =	wrdreg s13  }
0x7: {  	s16 =	simm.s32 $0x6900;
	s5 =	sshll.u32 s6, $0x1;
	[dreg:$0x17] =	wrdreg s14  }
0x8: {  	s0 =	sand.u32 $0x1, s0;
	s6 =	sshrl.u32 s6, $0x2;
	[dreg:$0x18] =	wrdreg s15  }
0x9: {  	s5 =	sand.u32 $0x6, s5;
	[dreg:$0x19] =	wrdreg s16;
	s12 =	simm.s32 $0x12900  }
0xa: {  	s9 =	sshll.u32 s6, $0x7;
	s13 =	simm.s32 $0x13100;
	[smem:$0x7EF] =	sst s12  }
0xb: {  	s6 =	sshll.u32 s6, $0x14;
	s14 =	simm.s32 $0x13900;
	[smem:$0x7F0] =	sst s13  }
0xc: {  	s15 =	simm.s32 $0x14900;
	s5 =	sor.u32 s0, s5;
	[smem:$0x7F1] =	sst s14  }
0xd: {  	s16 =	simm.s32 $0x15100;
	[smem:$0x7F2] =	sst s15;
	s8 =	sshll.u32 s5, $0xA  }
0xe: {  	s7 =	sshll.u32 s5, $0x8;
	s5 =	sshll.u32 s5, $0x11;
	s8 =	sor.u32 s9, s8  }
0xf: {  	[smem:$0x7F3] =	sst s16;
	s5 =	sor.u32 s6, s5;
	s8 =	sshrl.u32 s8, $0x3  }
0x10: {  	s7 =	sor.u32 $0x80, s7;
	s5 =	sshrl.u32 s5, $0x3;
	s8 =	sadd.s32 s1, s8  }
0x11: {  	s23 =	sshll.u32 s7, $0x9;
	s17 =	sadd.s32 s4, s5;
	[dreg:$0x4] =	wrdreg s8  }
0x12: {  	s5 =	sor.u32 s6, s23;
	s23 =	simm.s32 $0xB100;
	[smem:$0x7E3] =	sst s17  }
0x13: {  	s18 =	sadd.s32 $0x400, s17;
	[smem:$0x7E4] =	sst s23  }
0x14: {  	s19 =	sadd.s32 $0x800, s17;
	[dreg:$0x6] =	wrdreg s18  }
0x15: {  	s20 =	sadd.s32 $0xC00, s17;
	[dreg:$0x7] =	wrdreg s19  }
0x16: {  	s21 =	sadd.s32 $0x1000, s17;
	[dreg:$0x8] =	wrdreg s20  }
0x17: {  	s22 =	sadd.s32 $0x1400, s17;
	[dreg:$0x9] =	wrdreg s21  }
0x18: {  	s24 =	sadd.s32 $0x1800, s17;
	[dreg:$0xa] =	wrdreg s22  }
0x19: {  	s25 =	sadd.s32 $0x1C00, s17;
	[dreg:$0xb] =	wrdreg s24  }
0x1a: {  	s6 =	sadd.s32 $0x2C00, s17;
	[dreg:$0xc] =	wrdreg s25  }
0x1b: {  	s10 =	sshll.u32 s7, $0x2;
	s7 =	sadd.s32 $0x3000, s17;
	[dreg:$0x10] =	wrdreg s6  }
0x1c: {  	s9 =	sor.u32 s9, s10;
	s10 =	sadd.s32 $0x3800, s17;
	[dreg:$0x11] =	wrdreg s7  }
0x1d: {  	s11 =	sadd.s32 $0x3C00, s17;
	[dreg:$0x13] =	wrdreg s10  }
0x1e: {  	s8 =	simm.s32 $0xF900;
	[dreg:$0x14] =	wrdreg s11  }
0x1f: {  	s9 =	sshrl.u32 s9, $0x3;
	s23 =	simm.s32 $0x19900;
	[smem:$0x7EB] =	sst s8  }
0x20: {  	s5 =	sshrl.u32 s5, $0x3;
	s1 =	sadd.s32 s1, s9;
	[smem:$0x7FA] =	sst s23  }
0x21: {  	s26 =	sadd.s32 s4, s5;
	[dreg:$0x5] =	wrdreg s1  }
0x22: {  	s4 =	sadd.s32 $0x2400, s17;
	[dreg:$0xd] =	wrdreg s26  }
0x23: {  	s5 =	sadd.s32 $0x2800, s17;
	[dreg:$0xe] =	wrdreg s4  }
0x24: {  	s9 =	sadd.s32 $0x3400, s17;
	[dreg:$0xf] =	wrdreg s5  }
0x25: {  	s17 =	simm.s32 $0x7100;
	[dreg:$0x12] =	wrdreg s9  }
0x26: {  	s18 =	simm.s32 $0x7900;
	[dreg:$0x1a] =	wrdreg s17  }
0x27: {  	s19 =	simm.s32 $0x8900;
	[dreg:$0x1b] =	wrdreg s18  }
0x28: {  	s20 =	simm.s32 $0x9100;
	[dreg:$0x1c] =	wrdreg s19  }
0x29: {  	s21 =	simm.s32 $0x9900;
	[dreg:$0x1d] =	wrdreg s20  }
0x2a: {  	s22 =	simm.s32 $0xA900;
	[dreg:$0x1e] =	wrdreg s21  }
0x2b: {  	s24 =	simm.s32 $0xB900;
	[dreg:$0x1f] =	wrdreg s22  }
0x2c: {  	s25 =	simm.s32 $0xC900;
	[smem:$0x7E5] =	sst s24  }
0x2d: {  	s29 =	simm.s32 $0x1;
	s6 =	simm.s32 $0xE900;
	[smem:$0x7E6] =	sst s25  }
0x2e: {  	s30 =	simm.s32 $0x2;
	s7 =	simm.s32 $0xF100;
	[smem:$0x7E9] =	sst s6  }
0x2f: {  	s28 =	simm.s32 $0x10100;
	s10 =	simm.s32 $0x11100;
	[smem:$0x7EA] =	sst s7  }
0x30: {  	s31 =	simm.s32 $0x14100;
	s11 =	simm.s32 $0x11900;
	[smem:$0x7ED] =	sst s10  }
0x31: {  	s0 =	ssub.s32 $0x2, s0;
	s26 =	simm.s32 $0xD100;
	[smem:$0x7EE] =	sst s11  }
0x32: {  	s12 =	simm.s32 $0x2100;
	s4 =	simm.s32 $0xD900;
	[smem:$0x7E7] =	sst s26  }
0x33: {  	s16 =	simm.s32 $0x1100;
	s9 =	simm.s32 $0x10900;
	[smem:$0x7E8] =	sst s4  }
0x34: {  	s8 =	simm.s32 $0x100;
	s17 =	simm.s32 $0x15900;
	[smem:$0x7EC] =	sst s9  }
0x35: {  	s23 =	simm.s32 $0x8100;
	s18 =	simm.s32 $0x16900;
	[smem:$0x7F4] =	sst s17  }
0x36: {  	s5 =	sshrl.u32 s0, $0x1;
	s19 =	simm.s32 $0x17100;
	[smem:$0x7F5] =	sst s18  }
0x37: {  	s7 =	simm.s32 $0x1D;
	s20 =	simm.s32 $0x17900;
	[smem:$0x7F6] =	sst s19  }
0x38: {  	s21 =	simm.s32 $0x18900;
	s22 =	simm.s32 $0x19100;
	[smem:$0x7F7] =	sst s20  }
0x39: {  	s24 =	simm.s32 $0x1A900;
	s25 =	simm.s32 $0x1B100;
	[smem:$0x7F8] =	sst s21  }
0x3a: {  	s10 =	simm.s32 $0x18100;
	s11 =	simm.s32 $0x1A100;
	[smem:$0x7F9] =	sst s22  }
0x3b: {  	s0 =	ssub.s32 s0, s5;
	s5 =	sadd.s32 $0x100, s2;
	[smem:$0x7FB] =	sst s24  }
0x3c: {  	[smem:$0x7FC] =	sst s25;
	s26 =	simm.s32 $0x1B900;
	s9 =	simm.s32 $0x10  }
0x3d: {  	s17 =	simm.s32 $0x1900;
	s18 =	simm.s32 $0x2900;
	s19 =	simm.s32 $0x3100  }
0x3e: {  	v2 =	vlaneseq.u32;
	s20 =	simm.s32 $0x3900;
	s21 =	simm.s32 $0x4100;
	s22 =	simm.s32 $0x6100  }
0x3f: {  	vm0 =	vmmov $0xffff;
	v1 =	vshrl.u32 v2, $0x3;
	s24 =	simm.s32 $0xA100;
	s25 =	simm.s32 $0xC100;
	s6 =	smax.u32 s0, $0x1  }
0x40: {  	v0 =	vand.u32 $0x7, v2;
	v2 =	vor.u32 $0x8, v2;
	v1 =	vmul.u32 $0x8, v1;
	[smem:$0x7FD] =	sst s26;
	s0 =	simm.s32 $0xF;
	s26 =	simm.s32 $0xE100  }
.LBB2_1:
0x41: {  	s13 =	rddreg [dreg:$0x4]  }
0x42: {  	s14 =	rddreg [dreg:$0x5]  }
0x43: {  	[tilespmem:s3], [sflag:$0x1D] =	stream.linear.gather [hbm4b:s13+s3], $0x80, $0x38;
	[tilespmem:$0x1C100] =	vst v63  }
0x44: {  	s15 =	rddreg [dreg:$0x15]  }
0x45: {  	[tilespmem:s15], [sflag:$0x1D] =	stream.linear.gather [hbm4b:s14+s3], $0x80, $0x38;
	[tilespmem:$0x1C100] =	vst v63  }
0x46: {  	_ =	swait.ge [sflag:s7], $0x80  }
0x47: {  	[sflag:s7] =	ssyncset.done $0x0  }
0x48: {  	[sflag:s7] =	ssyncadd.s32 $0xFFFFFF80  }
0x49: {  	v3 =	vld [tilespmem:$0x0];
	_ =	sdelay $0x4  }
0x4a: {  	v4 =	vshll.u32 v3, $0x2  }
0x4b: {  	v3 =	vand.u32 $0x7, v3;
	v4 =	vand.u32 $0xFFFFFFE0, v4  }
0x4c: {  	v3 =	vor.u32 v3, v4  }
0x4d: {  	v4 =	vperm.xlane v3, v0;
	_ =	sdelay $0x1  }
0x4e: {  	v4 =	vadd.s32 v1, v4;
	_ =	sdelay $0x1  }
0x4f: {  	v3 =	vperm.xlane v3, v2;
	_ =	sdelay $0x1  }
0x50: {  	v3 =	vadd.s32 v1, v3  }
0x51: {  	[tilespmem:s8], [sflag:$0x1] =	stream.indirect_vreg.gather [hbm4b:s2+s3], $0x80, v4, vm0, $0xb8;
	[tilespmem:$0x1C100] =	vst v63  }
0x52: {  	s15 =	simm.s32 $0x900  }
0x53: {  	[tilespmem:s15], [sflag:$0x1] =	stream.indirect_vreg.gather [hbm4b:s5+s3], $0x80, v4, vm0, $0xb8;
	[tilespmem:$0x1C100] =	vst v63  }
0x54: {  	_ = 	snop  }
0x55: {  	[tilespmem:s16], [sflag:$0x1] =	stream.indirect_vreg.gather [hbm4b:s2+s3], $0x80, v3, vm0, $0xb8;
	[tilespmem:$0x1C100] =	vst v63  }
0x56: {  	_ = 	snop  }
0x57: {  	[tilespmem:s17], [sflag:$0x1] =	stream.indirect_vreg.gather [hbm4b:s5+s3], $0x80, v3, vm0, $0xb8;
	[tilespmem:$0x1C100] =	vst v63  }
0x58: {  	v3 =	vld [tilespmem:$0x10];
	_ =	sdelay $0x4  }
0x59: {  	v49 =	vshll.u32 v3, $0x2  }
0x5a: {  	v3 =	vand.u32 $0x7, v3;
	v4 =	vand.u32 $0xFFFFFFE0, v49  }
0x5b: {  	v3 =	vor.u32 v3, v4  }
0x5c: {  	v4 =	vperm.xlane v3, v0;
	_ =	sdelay $0x1  }
0x5d: {  	v4 =	vadd.s32 v1, v4;
	_ =	sdelay $0x1  }
0x5e: {  	v3 =	vperm.xlane v3, v2;
	_ =	sdelay $0x1  }
0x5f: {  	v3 =	vadd.s32 v1, v3  }
0x60: {  	[tilespmem:s12], [sflag:$0x2] =	stream.indirect_vreg.gather [hbm4b:s2+s3], $0x80, v4, vm0, $0xb8;
	[tilespmem:$0x1C100] =	vst v63  }
0x61: {  	_ = 	snop  }
0x62: {  	[tilespmem:s18], [sflag:$0x2] =	stream.indirect_vreg.gather [hbm4b:s5+s3], $0x80, v4, vm0, $0xb8;
	[tilespmem:$0x1C100] =	vst v63  }
0x63: {  	_ = 	snop  }
0x64: {  	[tilespmem:s19], [sflag:$0x2] =	stream.indirect_vreg.gather [hbm4b:s2+s3], $0x80, v3, vm0, $0xb8;
	[tilespmem:$0x1C100] =	vst v63  }
0x65: {  	_ = 	snop  }
0x66: {  	[tilespmem:s20], [sflag:$0x2] =	stream.indirect_vreg.gather [hbm4b:s5+s3], $0x80, v3, vm0, $0xb8;
	[tilespmem:$0x1C100] =	vst v63  }
0x67: {  	v3 =	vld [tilespmem:$0x20];
	_ =	sdelay $0x4  }
0x68: {  	v50 =	vshll.u32 v3, $0x2  }
0x69: {  	v3 =	vand.u32 $0x7, v3;
	v4 =	vand.u32 $0xFFFFFFE0, v50  }
0x6a: {  	v3 =	vor.u32 v3, v4  }
0x6b: {  	v4 =	vperm.xlane v3, v0;
	_ =	sdelay $0x1  }
0x6c: {  	v4 =	vadd.s32 v1, v4;
	_ =	sdelay $0x1  }
0x6d: {  	v3 =	vperm.xlane v3, v2;
	_ =	sdelay $0x1  }
0x6e: {  	v3 =	vadd.s32 v1, v3  }
0x6f: {  	[tilespmem:s21], [sflag:$0x3] =	stream.indirect_vreg.gather [hbm4b:s2+s3], $0x80, v4, vm0, $0xb8;
	[tilespmem:$0x1C100] =	vst v63  }
0x70: {  	s14 =	rddreg [dreg:$0x16]  }
0x71: {  	[tilespmem:s14], [sflag:$0x3] =	stream.indirect_vreg.gather [hbm4b:s5+s3], $0x80, v4, vm0, $0xb8;
	[tilespmem:$0x1C100] =	vst v63  }
0x72: {  	s1 =	rddreg [dreg:$0x17]  }
0x73: {  	[tilespmem:s1], [sflag:$0x3] =	stream.indirect_vreg.gather [hbm4b:s2+s3], $0x80, v3, vm0, $0xb8;
	[tilespmem:$0x1C100] =	vst v63  }
0x74: {  	s4 =	rddreg [dreg:$0x18]  }
0x75: {  	[tilespmem:s4], [sflag:$0x3] =	stream.indirect_vreg.gather [hbm4b:s5+s3], $0x80, v3, vm0, $0xb8;
	[tilespmem:$0x1C100] =	vst v63  }
0x76: {  	v3 =	vld [tilespmem:$0x30];
	_ =	sdelay $0x4  }
0x77: {  	v51 =	vshll.u32 v3, $0x2  }
0x78: {  	v3 =	vand.u32 $0x7, v3;
	v4 =	vand.u32 $0xFFFFFFE0, v51  }
0x79: {  	v3 =	vor.u32 v3, v4  }
0x7a: {  	v4 =	vperm.xlane v3, v0;
	_ =	sdelay $0x1  }
0x7b: {  	v4 =	vadd.s32 v1, v4;
	_ =	sdelay $0x1  }
0x7c: {  	v3 =	vperm.xlane v3, v2;
	_ =	sdelay $0x1  }
0x7d: {  	v3 =	vadd.s32 v1, v3  }
0x7e: {  	[tilespmem:s22], [sflag:$0x4] =	stream.indirect_vreg.gather [hbm4b:s2+s3], $0x80, v4, vm0, $0xb8;
	[tilespmem:$0x1C100] =	vst v63  }
0x7f: {  	s14 =	rddreg [dreg:$0x19]  }
0x80: {  	[tilespmem:s14], [sflag:$0x4] =	stream.indirect_vreg.gather [hbm4b:s5+s3], $0x80, v4, vm0, $0xb8;
	[tilespmem:$0x1C100] =	vst v63  }
0x81: {  	s1 =	rddreg [dreg:$0x1a]  }
0x82: {  	[tilespmem:s1], [sflag:$0x4] =	stream.indirect_vreg.gather [hbm4b:s2+s3], $0x80, v3, vm0, $0xb8;
	[tilespmem:$0x1C100] =	vst v63  }
0x83: {  	s4 =	rddreg [dreg:$0x1b]  }
0x84: {  	[tilespmem:s4], [sflag:$0x4] =	stream.indirect_vreg.gather [hbm4b:s5+s3], $0x80, v3, vm0, $0xb8;
	[tilespmem:$0x1C100] =	vst v63  }
0x85: {  	v3 =	vld [tilespmem:$0x40];
	_ =	sdelay $0x4  }
0x86: {  	v52 =	vshll.u32 v3, $0x2  }
0x87: {  	v3 =	vand.u32 $0x7, v3;
	v4 =	vand.u32 $0xFFFFFFE0, v52  }
0x88: {  	v3 =	vor.u32 v3, v4  }
0x89: {  	v4 =	vperm.xlane v3, v0;
	_ =	sdelay $0x1  }
0x8a: {  	v4 =	vadd.s32 v1, v4;
	_ =	sdelay $0x1  }
0x8b: {  	v3 =	vperm.xlane v3, v2;
	_ =	sdelay $0x1  }
0x8c: {  	v3 =	vadd.s32 v1, v3  }
0x8d: {  	[tilespmem:s23], [sflag:$0x5] =	stream.indirect_vreg.gather [hbm4b:s2+s3], $0x80, v4, vm0, $0xb8;
	[tilespmem:$0x1C100] =	vst v63  }
0x8e: {  	s14 =	rddreg [dreg:$0x1c]  }
0x8f: {  	[tilespmem:s14], [sflag:$0x5] =	stream.indirect_vreg.gather [hbm4b:s5+s3], $0x80, v4, vm0, $0xb8;
	[tilespmem:$0x1C100] =	vst v63  }
0x90: {  	s1 =	rddreg [dreg:$0x1d]  }
0x91: {  	[tilespmem:s1], [sflag:$0x5] =	stream.indirect_vreg.gather [hbm4b:s2+s3], $0x80, v3, vm0, $0xb8;
	[tilespmem:$0x1C100] =	vst v63  }
0x92: {  	s4 =	rddreg [dreg:$0x1e]  }
0x93: {  	[tilespmem:s4], [sflag:$0x5] =	stream.indirect_vreg.gather [hbm4b:s5+s3], $0x80, v3, vm0, $0xb8;
	[tilespmem:$0x1C100] =	vst v63  }
0x94: {  	v3 =	vld [tilespmem:$0x50];
	_ =	sdelay $0x4  }
0x95: {  	v53 =	vshll.u32 v3, $0x2  }
0x96: {  	v3 =	vand.u32 $0x7, v3;
	v4 =	vand.u32 $0xFFFFFFE0, v53  }
0x97: {  	v3 =	vor.u32 v3, v4  }
0x98: {  	v4 =	vperm.xlane v3, v0;
	_ =	sdelay $0x1  }
0x99: {  	v4 =	vadd.s32 v1, v4;
	_ =	sdelay $0x1  }
0x9a: {  	v3 =	vperm.xlane v3, v2;
	_ =	sdelay $0x1  }
0x9b: {  	s14 =	rddreg [dreg:$0x1f];
	v3 =	vadd.s32 v1, v3  }
0x9c: {  	[tilespmem:s24], [sflag:$0x6] =	stream.indirect_vreg.gather [hbm4b:s2+s3], $0x80, v4, vm0, $0xb8;
	[tilespmem:$0x1C100] =	vst v63  }
0x9d: {  	s1 =	sld [smem:$0x7E4]  }
0x9e: {  	[tilespmem:s14], [sflag:$0x6] =	stream.indirect_vreg.gather [hbm4b:s5+s3], $0x80, v4, vm0, $0xb8;
	[tilespmem:$0x1C100] =	vst v63  }
0x9f: {  	s4 =	sld [smem:$0x7E5]  }
0xa0: {  	[tilespmem:s1], [sflag:$0x6] =	stream.indirect_vreg.gather [hbm4b:s2+s3], $0x80, v3, vm0, $0xb8;
	[tilespmem:$0x1C100] =	vst v63  }
0xa1: {  	_ = 	snop  }
0xa2: {  	[tilespmem:s4], [sflag:$0x6] =	stream.indirect_vreg.gather [hbm4b:s5+s3], $0x80, v3, vm0, $0xb8;
	[tilespmem:$0x1C100] =	vst v63  }
0xa3: {  	v3 =	vld [tilespmem:$0x60];
	_ =	sdelay $0x4  }
0xa4: {  	v54 =	vshll.u32 v3, $0x2  }
0xa5: {  	v3 =	vand.u32 $0x7, v3;
	v4 =	vand.u32 $0xFFFFFFE0, v54  }
0xa6: {  	v3 =	vor.u32 v3, v4  }
0xa7: {  	v4 =	vperm.xlane v3, v0;
	_ =	sdelay $0x1  }
0xa8: {  	v4 =	vadd.s32 v1, v4;
	_ =	sdelay $0x1  }
0xa9: {  	v3 =	vperm.xlane v3, v2;
	_ =	sdelay $0x1  }
0xaa: {  	s14 =	sld [smem:$0x7E6];
	v3 =	vadd.s32 v1, v3  }
0xab: {  	[tilespmem:s25], [sflag:$0x7] =	stream.indirect_vreg.gather [hbm4b:s2+s3], $0x80, v4, vm0, $0xb8;
	[tilespmem:$0x1C100] =	vst v63  }
0xac: {  	s1 =	sld [smem:$0x7E7]  }
0xad: {  	[tilespmem:s14], [sflag:$0x7] =	stream.indirect_vreg.gather [hbm4b:s5+s3], $0x80, v4, vm0, $0xb8;
	[tilespmem:$0x1C100] =	vst v63  }
0xae: {  	s4 =	sld [smem:$0x7E8]  }
0xaf: {  	[tilespmem:s1], [sflag:$0x7] =	stream.indirect_vreg.gather [hbm4b:s2+s3], $0x80, v3, vm0, $0xb8;
	[tilespmem:$0x1C100] =	vst v63  }
0xb0: {  	_ = 	snop  }
0xb1: {  	[tilespmem:s4], [sflag:$0x7] =	stream.indirect_vreg.gather [hbm4b:s5+s3], $0x80, v3, vm0, $0xb8;
	[tilespmem:$0x1C100] =	vst v63  }
0xb2: {  	v3 =	vld [tilespmem:$0x70];
	_ =	sdelay $0x4  }
0xb3: {  	v55 =	vshll.u32 v3, $0x2  }
0xb4: {  	v3 =	vand.u32 $0x7, v3;
	v4 =	vand.u32 $0xFFFFFFE0, v55  }
0xb5: {  	v3 =	vor.u32 v3, v4  }
0xb6: {  	v4 =	vperm.xlane v3, v0;
	_ =	sdelay $0x1  }
0xb7: {  	v4 =	vadd.s32 v1, v4;
	_ =	sdelay $0x1  }
0xb8: {  	v3 =	vperm.xlane v3, v2;
	_ =	sdelay $0x1  }
0xb9: {  	s14 =	sld [smem:$0x7E9];
	v3 =	vadd.s32 v1, v3  }
0xba: {  	[tilespmem:s26], [sflag:$0x8] =	stream.indirect_vreg.gather [hbm4b:s2+s3], $0x80, v4, vm0, $0xb8;
	[tilespmem:$0x1C100] =	vst v63  }
0xbb: {  	s1 =	sld [smem:$0x7EA]  }
0xbc: {  	[tilespmem:s14], [sflag:$0x8] =	stream.indirect_vreg.gather [hbm4b:s5+s3], $0x80, v4, vm0, $0xb8;
	[tilespmem:$0x1C100] =	vst v63  }
0xbd: {  	s4 =	sld [smem:$0x7EB]  }
0xbe: {  	[tilespmem:s1], [sflag:$0x8] =	stream.indirect_vreg.gather [hbm4b:s2+s3], $0x80, v3, vm0, $0xb8;
	[tilespmem:$0x1C100] =	vst v63  }
0xbf: {  	_ = 	snop  }
0xc0: {  	[tilespmem:s4], [sflag:$0x8] =	stream.indirect_vreg.gather [hbm4b:s5+s3], $0x80, v3, vm0, $0xb8;
	[tilespmem:$0x1C100] =	vst v63  }
0xc1: {  	_ =	swait.ge [sflag:s7], $0x80  }
0xc2: {  	[sflag:s7] =	ssyncset.done $0x0  }
0xc3: {  	[sflag:s7] =	ssyncadd.s32 $0xFFFFFF80  }
0xc4: {  	v3 =	vld [tilespmem:$0x80];
	_ =	sdelay $0x4  }
0xc5: {  	v56 =	vshll.u32 v3, $0x2  }
0xc6: {  	v3 =	vand.u32 $0x7, v3;
	v4 =	vand.u32 $0xFFFFFFE0, v56  }
0xc7: {  	v3 =	vor.u32 v3, v4  }
0xc8: {  	v4 =	vperm.xlane v3, v0;
	_ =	sdelay $0x1  }
0xc9: {  	v4 =	vadd.s32 v1, v4;
	_ =	sdelay $0x1  }
0xca: {  	v3 =	vperm.xlane v3, v2;
	_ =	sdelay $0x1  }
0xcb: {  	s14 =	sld [smem:$0x7EC];
	v3 =	vadd.s32 v1, v3  }
0xcc: {  	[tilespmem:s28], [sflag:$0x9] =	stream.indirect_vreg.gather [hbm4b:s2+s3], $0x80, v4, vm0, $0xb8;
	[tilespmem:$0x1C100] =	vst v63  }
0xcd: {  	s1 =	sld [smem:$0x7ED]  }
0xce: {  	[tilespmem:s14], [sflag:$0x9] =	stream.indirect_vreg.gather [hbm4b:s5+s3], $0x80, v4, vm0, $0xb8;
	[tilespmem:$0x1C100] =	vst v63  }
0xcf: {  	s4 =	sld [smem:$0x7EE]  }
0xd0: {  	[tilespmem:s1], [sflag:$0x9] =	stream.indirect_vreg.gather [hbm4b:s2+s3], $0x80, v3, vm0, $0xb8;
	[tilespmem:$0x1C100] =	vst v63  }
0xd1: {  	_ = 	snop  }
0xd2: {  	[tilespmem:s4], [sflag:$0x9] =	stream.indirect_vreg.gather [hbm4b:s5+s3], $0x80, v3, vm0, $0xb8;
	[tilespmem:$0x1C100] =	vst v63  }
0xd3: {  	v3 =	vld [tilespmem:$0x90];
	_ =	sdelay $0x4  }
0xd4: {  	v57 =	vshll.u32 v3, $0x2  }
0xd5: {  	v3 =	vand.u32 $0x7, v3;
	v4 =	vand.u32 $0xFFFFFFE0, v57  }
0xd6: {  	v3 =	vor.u32 v3, v4  }
0xd7: {  	v4 =	vperm.xlane v3, v0;
	_ =	sdelay $0x1  }
0xd8: {  	v4 =	vadd.s32 v1, v4;
	_ =	sdelay $0x1  }
0xd9: {  	v3 =	vperm.xlane v3, v2;
	_ =	sdelay $0x1  }
0xda: {  	s1 =	sld [smem:$0x7EF];
	s4 =	simm.s32 $0x12100;
	v3 =	vadd.s32 v1, v3  }
0xdb: {  	[tilespmem:s4], [sflag:$0xA] =	stream.indirect_vreg.gather [hbm4b:s2+s3], $0x80, v4, vm0, $0xb8;
	[tilespmem:$0x1C100] =	vst v63  }
0xdc: {  	s14 =	sld [smem:$0x7F0]  }
0xdd: {  	[tilespmem:s1], [sflag:$0xA] =	stream.indirect_vreg.gather [hbm4b:s5+s3], $0x80, v4, vm0, $0xb8;
	[tilespmem:$0x1C100] =	vst v63  }
0xde: {  	s1 =	sld [smem:$0x7F1]  }
0xdf: {  	[tilespmem:s14], [sflag:$0xA] =	stream.indirect_vreg.gather [hbm4b:s2+s3], $0x80, v3, vm0, $0xb8;
	[tilespmem:$0x1C100] =	vst v63  }
0xe0: {  	_ = 	snop  }
0xe1: {  	[tilespmem:s1], [sflag:$0xA] =	stream.indirect_vreg.gather [hbm4b:s5+s3], $0x80, v3, vm0, $0xb8;
	[tilespmem:$0x1C100] =	vst v63  }
0xe2: {  	v3 =	vld [tilespmem:$0xA0];
	_ =	sdelay $0x4  }
0xe3: {  	v58 =	vshll.u32 v3, $0x2  }
0xe4: {  	v3 =	vand.u32 $0x7, v3;
	v4 =	vand.u32 $0xFFFFFFE0, v58  }
0xe5: {  	v3 =	vor.u32 v3, v4  }
0xe6: {  	v4 =	vperm.xlane v3, v0;
	_ =	sdelay $0x1  }
0xe7: {  	v4 =	vadd.s32 v1, v4;
	_ =	sdelay $0x1  }
0xe8: {  	v3 =	vperm.xlane v3, v2;
	_ =	sdelay $0x1  }
0xe9: {  	s1 =	sld [smem:$0x7F2];
	v3 =	vadd.s32 v1, v3  }
0xea: {  	[tilespmem:s31], [sflag:$0xB] =	stream.indirect_vreg.gather [hbm4b:s2+s3], $0x80, v4, vm0, $0xb8;
	[tilespmem:$0x1C100] =	vst v63  }
0xeb: {  	s14 =	sld [smem:$0x7F3]  }
0xec: {  	[tilespmem:s1], [sflag:$0xB] =	stream.indirect_vreg.gather [hbm4b:s5+s3], $0x80, v4, vm0, $0xb8;
	[tilespmem:$0x1C100] =	vst v63  }
0xed: {  	s1 =	sld [smem:$0x7F4]  }
0xee: {  	[tilespmem:s14], [sflag:$0xB] =	stream.indirect_vreg.gather [hbm4b:s2+s3], $0x80, v3, vm0, $0xb8;
	[tilespmem:$0x1C100] =	vst v63  }
0xef: {  	_ = 	snop  }
0xf0: {  	[tilespmem:s1], [sflag:$0xB] =	stream.indirect_vreg.gather [hbm4b:s5+s3], $0x80, v3, vm0, $0xb8;
	[tilespmem:$0x1C100] =	vst v63  }
0xf1: {  	v3 =	vld [tilespmem:$0xB0];
	_ =	sdelay $0x4  }
0xf2: {  	v59 =	vshll.u32 v3, $0x2  }
0xf3: {  	v3 =	vand.u32 $0x7, v3;
	v4 =	vand.u32 $0xFFFFFFE0, v59  }
0xf4: {  	v3 =	vor.u32 v3, v4  }
0xf5: {  	v4 =	vperm.xlane v3, v0;
	_ =	sdelay $0x1  }
0xf6: {  	v4 =	vadd.s32 v1, v4;
	_ =	sdelay $0x1  }
0xf7: {  	v3 =	vperm.xlane v3, v2;
	_ =	sdelay $0x1  }
0xf8: {  	s13 =	sld [smem:$0x7F5];
	s1 =	simm.s32 $0x16100;
	v3 =	vadd.s32 v1, v3  }
0xf9: {  	[tilespmem:s1], [sflag:$0xC] =	stream.indirect_vreg.gather [hbm4b:s2+s3], $0x80, v4, vm0, $0xb8;
	[tilespmem:$0x1C100] =	vst v63  }
0xfa: {  	s14 =	sld [smem:$0x7F6]  }
0xfb: {  	[tilespmem:s13], [sflag:$0xC] =	stream.indirect_vreg.gather [hbm4b:s5+s3], $0x80, v4, vm0, $0xb8;
	[tilespmem:$0x1C100] =	vst v63  }
0xfc: {  	s13 =	sld [smem:$0x7F7]  }
0xfd: {  	[tilespmem:s14], [sflag:$0xC] =	stream.indirect_vreg.gather [hbm4b:s2+s3], $0x80, v3, vm0, $0xb8;
	[tilespmem:$0x1C100] =	vst v63  }
0xfe: {  	_ = 	snop  }
0xff: {  	[tilespmem:s13], [sflag:$0xC] =	stream.indirect_vreg.gather [hbm4b:s5+s3], $0x80, v3, vm0, $0xb8;
	[tilespmem:$0x1C100] =	vst v63  }
0x100: {  	v3 =	vld [tilespmem:$0xC0];
	_ =	sdelay $0x4  }
0x101: {  	v60 =	vshll.u32 v3, $0x2  }
0x102: {  	v3 =	vand.u32 $0x7, v3;
	v4 =	vand.u32 $0xFFFFFFE0, v60  }
0x103: {  	v3 =	vor.u32 v3, v4  }
0x104: {  	v4 =	vperm.xlane v3, v0;
	_ =	sdelay $0x1  }
0x105: {  	v4 =	vadd.s32 v1, v4;
	_ =	sdelay $0x1  }
0x106: {  	v3 =	vperm.xlane v3, v2;
	_ =	sdelay $0x1  }
0x107: {  	s13 =	sld [smem:$0x7F8];
	v3 =	vadd.s32 v1, v3  }
0x108: {  	[tilespmem:s10], [sflag:$0xD] =	stream.indirect_vreg.gather [hbm4b:s2+s3], $0x80, v4, vm0, $0xb8;
	[tilespmem:$0x1C100] =	vst v63  }
0x109: {  	s14 =	sld [smem:$0x7F9]  }
0x10a: {  	[tilespmem:s13], [sflag:$0xD] =	stream.indirect_vreg.gather [hbm4b:s5+s3], $0x80, v4, vm0, $0xb8;
	[tilespmem:$0x1C100] =	vst v63  }
0x10b: {  	s13 =	sld [smem:$0x7FA]  }
0x10c: {  	[tilespmem:s14], [sflag:$0xD] =	stream.indirect_vreg.gather [hbm4b:s2+s3], $0x80, v3, vm0, $0xb8;
	[tilespmem:$0x1C100] =	vst v63  }
0x10d: {  	_ = 	snop  }
0x10e: {  	[tilespmem:s13], [sflag:$0xD] =	stream.indirect_vreg.gather [hbm4b:s5+s3], $0x80, v3, vm0, $0xb8;
	[tilespmem:$0x1C100] =	vst v63  }
0x10f: {  	v3 =	vld [tilespmem:$0xD0];
	_ =	sdelay $0x4  }
0x110: {  	v61 =	vshll.u32 v3, $0x2  }
0x111: {  	v3 =	vand.u32 $0x7, v3;
	v4 =	vand.u32 $0xFFFFFFE0, v61  }
0x112: {  	v3 =	vor.u32 v3, v4  }
0x113: {  	v4 =	vperm.xlane v3, v0;
	_ =	sdelay $0x1  }
0x114: {  	v4 =	vadd.s32 v1, v4;
	_ =	sdelay $0x1  }
0x115: {  	v3 =	vperm.xlane v3, v2;
	_ =	sdelay $0x1  }
0x116: {  	s13 =	sld [smem:$0x7FB];
	v3 =	vadd.s32 v1, v3  }
0x117: {  	[tilespmem:s11], [sflag:$0xE] =	stream.indirect_vreg.gather [hbm4b:s2+s3], $0x80, v4, vm0, $0xb8;
	[tilespmem:$0x1C100] =	vst v63  }
0x118: {  	s14 =	sld [smem:$0x7FC]  }
0x119: {  	[tilespmem:s13], [sflag:$0xE] =	stream.indirect_vreg.gather [hbm4b:s5+s3], $0x80, v4, vm0, $0xb8;
	[tilespmem:$0x1C100] =	vst v63  }
0x11a: {  	s13 =	sld [smem:$0x7FD]  }
0x11b: {  	[tilespmem:s14], [sflag:$0xE] =	stream.indirect_vreg.gather [hbm4b:s2+s3], $0x80, v3, vm0, $0xb8;
	[tilespmem:$0x1C100] =	vst v63  }
0x11c: {  	_ = 	snop  }
0x11d: {  	[tilespmem:s13], [sflag:$0xE] =	stream.indirect_vreg.gather [hbm4b:s5+s3], $0x80, v3, vm0, $0xb8;
	[tilespmem:$0x1C100] =	vst v63  }
0x11e: {  	_ =	swait.ge [sflag:s29], $0x2000  }
0x11f: {  	s14 =	sld [smem:$0x7E3]  }
0x120: {  	[sflag:s29] =	ssyncset.done $0x0  }
0x121: {  	[sflag:s29] =	ssyncadd.s32 $0xFFFFE000  }
0x122: {  	[hbm4b:s14+s3] =	stream.linear.scatter [tilespmem:s8], [sflag:$0xF], $0x2000, $0x38;
	[tilespmem:$0x1C100] =	vst v63  }
0x123: {  	_ =	swait.ge [sflag:s30], $0x2000  }
0x124: {  	[sflag:s30] =	ssyncset.done $0x0  }
0x125: {  	s14 =	rddreg [dreg:$0x6];
	[sflag:s30] =	ssyncadd.s32 $0xFFFFE000  }
0x126: {  	[hbm4b:s14+s3] =	stream.linear.scatter [tilespmem:s12], [sflag:$0x10], $0x2000, $0x38;
	[tilespmem:$0x1C100] =	vst v63  }
0x127: {  	s14 =	simm.s32 $0x3  }
0x128: {  	_ =	swait.ge [sflag:s14], $0x2000  }
0x129: {  	[sflag:s14] =	ssyncset.done $0x0  }
0x12a: {  	s13 =	rddreg [dreg:$0x7];
	[sflag:s14] =	ssyncadd.s32 $0xFFFFE000  }
0x12b: {  	[hbm4b:s13+s3] =	stream.linear.scatter [tilespmem:s21], [sflag:$0x11], $0x2000, $0x38;
	[tilespmem:$0x1C100] =	vst v63  }
0x12c: {  	_ =	swait.ge [sflag:s0], $0x2000  }
0x12d: {  	[sflag:s0] =	ssyncset.done $0x0  }
0x12e: {  	[sflag:s0] =	ssyncadd.s32 $0xFFFFE000  }
0x12f: {  	v3 =	vld [tilespmem:$0xE0];
	_ =	sdelay $0x4  }
0x130: {  	v62 =	vshll.u32 v3, $0x2  }
0x131: {  	v3 =	vand.u32 $0x7, v3;
	v4 =	vand.u32 $0xFFFFFFE0, v62  }
0x132: {  	v3 =	vor.u32 v3, v4  }
0x133: {  	v4 =	vperm.xlane v3, v0;
	_ =	sdelay $0x1  }
0x134: {  	v4 =	vadd.s32 v1, v4;
	_ =	sdelay $0x1  }
0x135: {  	v3 =	vperm.xlane v3, v2;
	_ =	sdelay $0x1  }
0x136: {  	v3 =	vadd.s32 v1, v3  }
0x137: {  	[tilespmem:s8], [sflag:$0x1] =	stream.indirect_vreg.gather [hbm4b:s2+s3], $0x80, v4, vm0, $0xb8;
	[tilespmem:$0x1C100] =	vst v63  }
0x138: {  	_ = 	snop  }
0x139: {  	[tilespmem:s15], [sflag:$0x1] =	stream.indirect_vreg.gather [hbm4b:s5+s3], $0x80, v4, vm0, $0xb8;
	[tilespmem:$0x1C100] =	vst v63  }
0x13a: {  	_ = 	snop  }
0x13b: {  	[tilespmem:s16], [sflag:$0x1] =	stream.indirect_vreg.gather [hbm4b:s2+s3], $0x80, v3, vm0, $0xb8;
	[tilespmem:$0x1C100] =	vst v63  }
0x13c: {  	s13 =	simm.s32 $0x4  }
0x13d: {  	[tilespmem:s17], [sflag:$0x1] =	stream.indirect_vreg.gather [hbm4b:s5+s3], $0x80, v3, vm0, $0xb8;
	[tilespmem:$0x1C100] =	vst v63  }
0x13e: {  	_ =	swait.ge [sflag:s13], $0x2000  }
0x13f: {  	[sflag:s13] =	ssyncset.done $0x0  }
0x140: {  	s15 =	rddreg [dreg:$0x8];
	[sflag:s13] =	ssyncadd.s32 $0xFFFFE000  }
0x141: {  	[hbm4b:s15+s3] =	stream.linear.scatter [tilespmem:s22], [sflag:$0x12], $0x2000, $0x38;
	[tilespmem:$0x1C100] =	vst v63  }
0x142: {  	_ =	swait.ge [sflag:s9], $0x2000  }
0x143: {  	[sflag:s9] =	ssyncset.done $0x0  }
0x144: {  	[sflag:s9] =	ssyncadd.s32 $0xFFFFE000  }
0x145: {  	v3 =	vld [tilespmem:$0xF0];
	_ =	sdelay $0x4  }
0x146: {  	v63 =	vshll.u32 v3, $0x2  }
0x147: {  	v3 =	vand.u32 $0x7, v3;
	v4 =	vand.u32 $0xFFFFFFE0, v63  }
0x148: {  	v3 =	vor.u32 v3, v4  }
0x149: {  	v4 =	vperm.xlane v3, v0;
	_ =	sdelay $0x1  }
0x14a: {  	v4 =	vadd.s32 v1, v4;
	_ =	sdelay $0x1  }
0x14b: {  	v3 =	vperm.xlane v3, v2;
	_ =	sdelay $0x1  }
0x14c: {  	v3 =	vadd.s32 v1, v3  }
0x14d: {  	[tilespmem:s12], [sflag:$0x2] =	stream.indirect_vreg.gather [hbm4b:s2+s3], $0x80, v4, vm0, $0xb8;
	[tilespmem:$0x1C100] =	vst v63  }
0x14e: {  	_ = 	snop  }
0x14f: {  	[tilespmem:s18], [sflag:$0x2] =	stream.indirect_vreg.gather [hbm4b:s5+s3], $0x80, v4, vm0, $0xb8;
	[tilespmem:$0x1C100] =	vst v63  }
0x150: {  	_ = 	snop  }
0x151: {  	[tilespmem:s19], [sflag:$0x2] =	stream.indirect_vreg.gather [hbm4b:s2+s3], $0x80, v3, vm0, $0xb8;
	[tilespmem:$0x1C100] =	vst v63  }
0x152: {  	s13 =	simm.s32 $0x5  }
0x153: {  	[tilespmem:s20], [sflag:$0x2] =	stream.indirect_vreg.gather [hbm4b:s5+s3], $0x80, v3, vm0, $0xb8;
	[tilespmem:$0x1C100] =	vst v63  }
0x154: {  	_ =	swait.ge [sflag:s13], $0x2000  }
0x155: {  	[sflag:s13] =	ssyncset.done $0x0  }
0x156: {  	s15 =	rddreg [dreg:$0x9];
	[sflag:s13] =	ssyncadd.s32 $0xFFFFE000;
	s13 =	simm.s32 $0x6  }
0x157: {  	[hbm4b:s15+s3] =	stream.linear.scatter [tilespmem:s23], [sflag:$0x13], $0x2000, $0x38;
	[tilespmem:$0x1C100] =	vst v63  }
0x158: {  	_ =	swait.ge [sflag:s13], $0x2000  }
0x159: {  	[sflag:s13] =	ssyncset.done $0x0  }
0x15a: {  	s15 =	rddreg [dreg:$0xa];
	[sflag:s13] =	ssyncadd.s32 $0xFFFFE000;
	s13 =	simm.s32 $0x7  }
0x15b: {  	[hbm4b:s15+s3] =	stream.linear.scatter [tilespmem:s24], [sflag:$0x14], $0x2000, $0x38;
	[tilespmem:$0x1C100] =	vst v63  }
0x15c: {  	_ =	swait.ge [sflag:s13], $0x2000  }
0x15d: {  	[sflag:s13] =	ssyncset.done $0x0  }
0x15e: {  	s15 =	rddreg [dreg:$0xb];
	[sflag:s13] =	ssyncadd.s32 $0xFFFFE000;
	s13 =	simm.s32 $0x8  }
0x15f: {  	[hbm4b:s15+s3] =	stream.linear.scatter [tilespmem:s25], [sflag:$0x15], $0x2000, $0x38;
	[tilespmem:$0x1C100] =	vst v63  }
0x160: {  	_ =	swait.ge [sflag:s13], $0x2000  }
0x161: {  	[sflag:s13] =	ssyncset.done $0x0  }
0x162: {  	s15 =	rddreg [dreg:$0xc];
	[sflag:s13] =	ssyncadd.s32 $0xFFFFE000;
	s13 =	simm.s32 $0x9  }
0x163: {  	[hbm4b:s15+s3] =	stream.linear.scatter [tilespmem:s26], [sflag:$0x16], $0x2000, $0x38;
	[tilespmem:$0x1C100] =	vst v63  }
0x164: {  	_ =	swait.ge [sflag:s13], $0x2000  }
0x165: {  	[sflag:s13] =	ssyncset.done $0x0  }
0x166: {  	s15 =	rddreg [dreg:$0xd];
	[sflag:s13] =	ssyncadd.s32 $0xFFFFE000;
	s13 =	simm.s32 $0xA  }
0x167: {  	[hbm4b:s15+s3] =	stream.linear.scatter [tilespmem:s28], [sflag:$0x17], $0x2000, $0x38;
	[tilespmem:$0x1C100] =	vst v63  }
0x168: {  	_ =	swait.ge [sflag:s13], $0x2000  }
0x169: {  	[sflag:s13] =	ssyncset.done $0x0  }
0x16a: {  	s14 =	simm.s32 $0xB;
	s15 =	rddreg [dreg:$0xe];
	[sflag:s13] =	ssyncadd.s32 $0xFFFFE000  }
0x16b: {  	[hbm4b:s15+s3] =	stream.linear.scatter [tilespmem:s4], [sflag:$0x18], $0x2000, $0x38;
	[tilespmem:$0x1C100] =	vst v63  }
0x16c: {  	_ =	swait.ge [sflag:s14], $0x2000  }
0x16d: {  	[sflag:s14] =	ssyncset.done $0x0  }
0x16e: {  	s13 =	simm.s32 $0xC;
	s15 =	rddreg [dreg:$0xf];
	[sflag:s14] =	ssyncadd.s32 $0xFFFFE000  }
0x16f: {  	[hbm4b:s15+s3] =	stream.linear.scatter [tilespmem:s31], [sflag:$0x19], $0x2000, $0x38;
	[tilespmem:$0x1C100] =	vst v63  }
0x170: {  	_ =	swait.ge [sflag:s13], $0x2000  }
0x171: {  	[sflag:s13] =	ssyncset.done $0x0  }
0x172: {  	s15 =	simm.s32 $0xD;
	s14 =	rddreg [dreg:$0x10];
	[sflag:s13] =	ssyncadd.s32 $0xFFFFE000  }
0x173: {  	[hbm4b:s14+s3] =	stream.linear.scatter [tilespmem:s1], [sflag:$0x1A], $0x2000, $0x38;
	[tilespmem:$0x1C100] =	vst v63  }
0x174: {  	_ =	swait.ge [sflag:s15], $0x2000  }
0x175: {  	[sflag:s15] =	ssyncset.done $0x0  }
0x176: {  	s13 =	simm.s32 $0xE;
	s4 =	rddreg [dreg:$0x11];
	[sflag:s15] =	ssyncadd.s32 $0xFFFFE000  }
0x177: {  	[hbm4b:s4+s3] =	stream.linear.scatter [tilespmem:s10], [sflag:$0x1B], $0x2000, $0x38;
	[tilespmem:$0x1C100] =	vst v63  }
0x178: {  	_ =	swait.ge [sflag:s13], $0x2000  }
0x179: {  	[sflag:s13] =	ssyncset.done $0x0  }
0x17a: {  	s14 =	rddreg [dreg:$0x12];
	[sflag:s13] =	ssyncadd.s32 $0xFFFFE000  }
0x17b: {  	[hbm4b:s14+s3] =	stream.linear.scatter [tilespmem:s11], [sflag:$0x1C], $0x2000, $0x38;
	[tilespmem:$0x1C100] =	vst v63  }
0x17c: {  	_ =	swait.ge [sflag:s29], $0x2000  }
0x17d: {  	[sflag:s29] =	ssyncset.done $0x0  }
0x17e: {  	s15 =	rddreg [dreg:$0x13];
	[sflag:s29] =	ssyncadd.s32 $0xFFFFE000  }
0x17f: {  	[hbm4b:s15+s3] =	stream.linear.scatter [tilespmem:s8], [sflag:$0xF], $0x2000, $0x38;
	[tilespmem:$0x1C100] =	vst v63  }
0x180: {  	_ =	swait.ge [sflag:s30], $0x2000  }
0x181: {  	[sflag:s30] =	ssyncset.done $0x0  }
0x182: {  	s4 =	simm.s32 $0x11;
	s1 =	rddreg [dreg:$0x14];
	[sflag:s30] =	ssyncadd.s32 $0xFFFFE000  }
0x183: {  	[hbm4b:s1+s3] =	stream.linear.scatter [tilespmem:s12], [sflag:$0x10], $0x2000, $0x38;
	[tilespmem:$0x1C100] =	vst v63  }
0x184: {  	_ =	swait.ge [sflag:s4], $0x2000  }
0x185: {  	[sflag:s4] =	ssyncset.done $0x0  }
0x186: {  	s13 =	simm.s32 $0x12;
	[sflag:s4] =	ssyncadd.s32 $0xFFFFE000  }
0x187: {  	_ =	swait.ge [sflag:s13], $0x2000  }
0x188: {  	[sflag:s13] =	ssyncset.done $0x0  }
0x189: {  	s14 =	simm.s32 $0x13;
	[sflag:s13] =	ssyncadd.s32 $0xFFFFE000  }
0x18a: {  	_ =	swait.ge [sflag:s14], $0x2000  }
0x18b: {  	[sflag:s14] =	ssyncset.done $0x0  }
0x18c: {  	s15 =	simm.s32 $0x14;
	[sflag:s14] =	ssyncadd.s32 $0xFFFFE000  }
0x18d: {  	_ =	swait.ge [sflag:s15], $0x2000  }
0x18e: {  	[sflag:s15] =	ssyncset.done $0x0  }
0x18f: {  	s4 =	simm.s32 $0x15;
	[sflag:s15] =	ssyncadd.s32 $0xFFFFE000  }
0x190: {  	_ =	swait.ge [sflag:s4], $0x2000  }
0x191: {  	[sflag:s4] =	ssyncset.done $0x0  }
0x192: {  	s13 =	simm.s32 $0x16;
	[sflag:s4] =	ssyncadd.s32 $0xFFFFE000  }
0x193: {  	_ =	swait.ge [sflag:s13], $0x2000  }
0x194: {  	[sflag:s13] =	ssyncset.done $0x0  }
0x195: {  	s14 =	simm.s32 $0x17;
	[sflag:s13] =	ssyncadd.s32 $0xFFFFE000  }
0x196: {  	_ =	swait.ge [sflag:s14], $0x2000  }
0x197: {  	[sflag:s14] =	ssyncset.done $0x0  }
0x198: {  	s15 =	simm.s32 $0x18;
	[sflag:s14] =	ssyncadd.s32 $0xFFFFE000  }
0x199: {  	_ =	swait.ge [sflag:s15], $0x2000  }
0x19a: {  	[sflag:s15] =	ssyncset.done $0x0  }
0x19b: {  	s4 =	simm.s32 $0x19;
	[sflag:s15] =	ssyncadd.s32 $0xFFFFE000  }
0x19c: {  	_ =	swait.ge [sflag:s4], $0x2000  }
0x19d: {  	[sflag:s4] =	ssyncset.done $0x0  }
0x19e: {  	s13 =	simm.s32 $0x1A;
	[sflag:s4] =	ssyncadd.s32 $0xFFFFE000  }
0x19f: {  	_ =	swait.ge [sflag:s13], $0x2000  }
0x1a0: {  	[sflag:s13] =	ssyncset.done $0x0  }
0x1a1: {  	s14 =	simm.s32 $0x1B;
	[sflag:s13] =	ssyncadd.s32 $0xFFFFE000  }
0x1a2: {  	_ =	swait.ge [sflag:s14], $0x2000  }
0x1a3: {  	[sflag:s14] =	ssyncset.done $0x0  }
0x1a4: {  	s15 =	simm.s32 $0x1C;
	[sflag:s14] =	ssyncadd.s32 $0xFFFFE000  }
0x1a5: {  	_ =	swait.ge [sflag:s15], $0x2000  }
0x1a6: {  	[sflag:s15] =	ssyncset.done $0x0  }
0x1a7: {  	[sflag:s15] =	ssyncadd.s32 $0xFFFFE000  }
0x1a8: {  	p0 =	sne.s32 s6, $0x1;
	_ =	swait.ge [sflag:s0], $0x2000  }
.Ltmp0:
0x1a9: {  	[sflag:s0] =	ssyncset.done $0x0;
	(pc) =	sbr.rel @p0 .LBB2_1-.Ltmp0, $4  }
0x1aa: {  	[sflag:s0] =	ssyncadd.s32 $0xFFFFE000  }
0x1ab: {  	_ =	swait.ge [sflag:s9], $0x2000  }
0x1ac: {  	[sflag:s9] =	ssyncset.done $0x0  }
0x1ad: {  	s6 =	sadd.s32 $0xFFFFFFFF, s6;
	[sflag:s9] =	ssyncadd.s32 $0xFFFFE000  }
0x1ae: {  	_ =	sfence.sel $0x180000  }
0x1af: {  	[bflag:$0x0] =	sbarrier.arrive $0xFFFF  }
0x1b0: {  	_ =	strace $0x90000047  }
0x1b1: {  	s0 =	stileid.u32;
	[bflag:$0x2] =	sbarrier.arrive $0xFFFF  }
0x1b2: {  	p0 =	sne.s32 s0, $0x0;
	s0 =	rddreg [dreg:$0x3]  }
0x1b3: {  	s0 =	sadd.s32 @!p0 $0x100000, s0  }
0x1b4: {  	[sflag:s0] =	ssyncadd.tile.s32 @!p0 $0x1;
	_ =	shalt  }
.Lfunc_end2:
_tile_overlayer_lowered:
.L_overlay_start_2:
0x1b5: {  	(tag) =	ssettag $0x2  }
0x1b6: {  	s0 =	rddreg [dreg:$0x0];
	s2 =	stileid.u32  }
0x1b7: {  	s1 =	rddreg [dreg:$0x1];
	p0 =	sne.s32 s2, $0x0  }
0x1b8: {  	s3 =	rddreg [dreg:$0x2];
	[bflag:$0x3] =	sbarrier.arrive $0xFFFF;
	s2 =	simm.s32 @!p0 $0x1C1E  }
0x1b9: {  	[timem:s3], [sflag:s2] =	dma.local @!p0 [hbm:s0], s1  }
0x1ba: {  	s0 =	simm.s32 @!p0 $0x1E  }
0x1bb: {  	_ =	swait.ge @!p0 [sflag:s0], s1  }
0x1bc: {  	s1 =	ssub.s32 @!p0 $0x0, s1;
	[sflag:s0] =	ssyncset.done @!p0 $0x0  }
0x1bd: {  	[sflag:s0] =	ssyncadd.s32 @!p0 s1  }
0x1be: {  	[bflag:$0x3] =	sbarrier.arrive $0xFFFF  }
0x1bf: {  	_ =	shalt  }

</sc_bundles>
